<compile_context>
chip_gen: v7x
topology: tpu7x:2x2x1
jax: 0.10.2.dev20260603
libtpu: 0.0.44.dev20260713+nightly
codegen_flags: <defaults>
</compile_context>

<pallas_src>
import functools

import jax
import jax.numpy as jnp
from jax import lax
from jax.experimental import pallas as pl
from jax.experimental.pallas import tpu as pltpu
from jax.experimental.pallas import tpu_sc as plsc

_NUM_FIELDS = 26
_CARD1 = 100001
_EMB = 64
_BATCH = 4096
_NW = 32
_ROWS_PER_W = _BATCH * _NUM_FIELDS // _NW
_CHUNK = 128
_NCHUNK = _ROWS_PER_W // _CHUNK
_LANES = 16


def _sc_embed(table_flat, x3):
    mesh = plsc.VectorSubcoreMesh(core_axis_name="c", subcore_axis_name="s")

    @functools.partial(
        pl.kernel,
        mesh=mesh,
        out_type=jax.ShapeDtypeStruct((_BATCH * _NUM_FIELDS, _EMB), jnp.float32),
        compiler_params=pltpu.CompilerParams(use_tc_tiling_on_sc=False),
        scratch_types=[
            pltpu.VMEM((_NCHUNK, _CHUNK), jnp.int32),
            pltpu.VMEM((_CHUNK, _EMB), jnp.float32),
            pltpu.VMEM((_CHUNK, _EMB), jnp.float32),
            pltpu.SemaphoreType.DMA,
            pltpu.SemaphoreType.DMA,
        ],
    )
    def k(table_hbm, x_hbm, out_hbm, idx_v, rows0, rows1, g0, g1):
        wid = lax.axis_index("s") * 2 + lax.axis_index("c")
        base = wid * _ROWS_PER_W

        pltpu.sync_copy(x_hbm.at[wid], idx_v)

        def add_offsets(j, carry):
            for i in range(_CHUNK // _LANES):
                sl = pl.ds(i * _LANES, _LANES)
                pos = lax.iota(jnp.int32, _LANES) + (j * _CHUNK + i * _LANES)
                off = lax.rem(pos, _NUM_FIELDS) * _CARD1
                idx_v[j, sl] = idx_v[j, sl] + off
            return carry

        lax.fori_loop(0, _NCHUNK, add_offsets, 0)

        bufs = (rows0, rows1)
        sems = (g0, g1)
        copies = [
            pltpu.async_copy(table_hbm.at[idx_v.at[j]], bufs[j], sems[j])
            for j in range(2)
        ]
        for j in range(_NCHUNK):
            b = j % 2
            copies[b].wait()
            pltpu.sync_copy(bufs[b], out_hbm.at[pl.ds(base + j * _CHUNK, _CHUNK)])
            if j + 2 < _NCHUNK:
                copies[b] = pltpu.async_copy(
                    table_hbm.at[idx_v.at[j + 2]], bufs[b], sems[b]
                )

    return k(table_flat, x3)


def kernel(x, tables):
    table_flat = tables.reshape(_NUM_FIELDS * _CARD1, _EMB)
    x3 = x.astype(jnp.int32).reshape(_NW, _NCHUNK, _CHUNK)
    out = _sc_embed(table_flat, x3)
    return out.reshape(_BATCH, _NUM_FIELDS * _EMB)

# --- scband reference (transcript-rebuilt; emitter-appended) ---
"""Pipeline reference for scband-feature-embedding-11046655885592 (READ-ONLY COPY).

The authoritative reference and input builder live on the scoring server;
editing this copy changes nothing except your own understanding.
"""

import jax, jax.numpy as jnp
import numpy as np

NUM_FIELDS = 26
CARD = 100000
EMB_DIM = 64
BATCH = 4096

def setup_inputs(seed: int = 0) -> dict:
    key = jax.random.key(seed)
    kx, kt = jax.random.split(key)
    x = jax.random.randint(kx, (BATCH, NUM_FIELDS), 0, CARD + 1, dtype=jnp.int64 if jax.config.jax_enable_x64 else jnp.int32)
    # One embedding table per field, stacked: [NUM_FIELDS, CARD+1, EMB_DIM].
    tables = jax.random.normal(kt, (NUM_FIELDS, CARD + 1, EMB_DIM), dtype=jnp.float32)
    # padding_idx=0: row 0 of every table is zeros
    tables = tables.at[:, 0, :].set(0.0)
    return {"x": x, "tables": tables}

def reference(x, tables):
    # Per-field embedding lookup, then concat along feature dim.
    # embs[i] = tables[i][x[:, i]]  -> [BATCH, EMB_DIM]
    def gather_one(t, idx):
        return jnp.take(t, idx, axis=0)
    embs = jax.vmap(gather_one)(tables, x.T)  # [NUM_FIELDS, BATCH, EMB_DIM]
    out = jnp.transpose(embs, (1, 0, 2)).reshape(x.shape[0], -1)  # == torch.cat(embs, dim=1)
    return out

if __name__ == "__main__":
    import jax
    _d = setup_inputs()
    print(jax.jit(kernel)(*tuple(_d.values())))

</pallas_src>

<mosaic_0001>
#map = affine_map<(d0, d1) -> (0, 0)>
#map1 = affine_map<(d0, d1) -> (0, 0, 0)>
module attributes {stable_mosaic.version = 14 : i64} {
  func.func @k(%arg0: i32, %arg1: i32, %arg2: memref<2600026x64xf32, #tpu.memory_space<hbm>>, %arg3: memref<32x26x128xi32, #tpu.memory_space<hbm>>, %arg4: memref<106496x64xf32, #tpu.memory_space<hbm>>, %arg5: memref<26x128xi32, #tpu.memory_space<vmem>>, %arg6: memref<128x64xf32, #tpu.memory_space<vmem>>, %arg7: memref<128x64xf32, #tpu.memory_space<vmem>>, %arg8: memref<!tpu.dma_semaphore, #tpu.memory_space<semaphore_mem>>, %arg9: memref<!tpu.dma_semaphore, #tpu.memory_space<semaphore_mem>>) attributes {dimension_semantics = [#tpu.dimension_semantics<core_parallel>, #tpu.dimension_semantics<subcore_parallel>], iteration_bounds = array<i64: 2, 16>, scalar_prefetch = 0 : i64, scratch_operands = 5 : i64, tpu.core_type = #tpu.core_type<sc_vector_subcore>, window_params = [{transform_indices = #map}, {transform_indices = #map1}, {transform_indices = #map}]} {
    %mul3A = arith.constant 2 : i32
    %mul3A_0 = arith.muli %arg1, %mul3A : i32
    %add3A = arith.addi %mul3A_0, %arg0 : i32
    %mul3A_1 = arith.constant 3328 : i32
    %mul3A_2 = arith.muli %add3A, %mul3A_1 : i32
    "tpu.region"() ({
      %run_scoped3A = tpu.sem_alloc : memref<!tpu.dma_semaphore, #tpu.memory_space<semaphore_mem>>
      %dma_start3A_422 = arith.constant 0 : i32
      %dma_start3A_423 = arith.constant 0 : i32
      %dma_start3A_424 = tpu.memref_slice %arg3[%add3A, %dma_start3A_422, %dma_start3A_423] : memref<32x26x128xi32, #tpu.memory_space<hbm>> -> memref<1x26x128xi32, #tpu.memory_space<hbm>>
      %dma_start3A_425 = tpu.memref_squeeze %dma_start3A_424 : memref<1x26x128xi32, #tpu.memory_space<hbm>> -> memref<26x128xi32, #tpu.memory_space<hbm>>
      %dma_start3A_426 = arith.constant 0 : i32
      %dma_start3A_427 = arith.constant 0 : i32
      %dma_start3A_428 = tpu.memref_slice %arg3[%add3A, %dma_start3A_426, %dma_start3A_427] : memref<32x26x128xi32, #tpu.memory_space<hbm>> -> memref<1x26x128xi32, #tpu.memory_space<hbm>>
      %dma_start3A_429 = tpu.memref_squeeze %dma_start3A_428 : memref<1x26x128xi32, #tpu.memory_space<hbm>> -> memref<26x128xi32, #tpu.memory_space<hbm>>
      tpu.enqueue_dma source(%dma_start3A_429 : memref<26x128xi32, #tpu.memory_space<hbm>>) target(%arg5 : memref<26x128xi32, #tpu.memory_space<vmem>>) target_semaphore(%run_scoped3A : memref<!tpu.dma_semaphore, #tpu.memory_space<semaphore_mem>>)
      %dma_wait3A_430 = arith.constant 0 : i32
      %dma_wait3A_431 = arith.constant 0 : i32
      %dma_wait3A_432 = tpu.memref_slice %arg3[%add3A, %dma_wait3A_430, %dma_wait3A_431] : memref<32x26x128xi32, #tpu.memory_space<hbm>> -> memref<1x26x128xi32, #tpu.memory_space<hbm>>
      %dma_wait3A_433 = tpu.memref_squeeze %dma_wait3A_432 : memref<1x26x128xi32, #tpu.memory_space<hbm>> -> memref<26x128xi32, #tpu.memory_space<hbm>>
      %dma_wait3A_434 = arith.constant 0 : i32
      %dma_wait3A_435 = arith.constant 0 : i32
      %dma_wait3A_436 = tpu.memref_slice %arg3[%add3A, %dma_wait3A_434, %dma_wait3A_435] : memref<32x26x128xi32, #tpu.memory_space<hbm>> -> memref<1x26x128xi32, #tpu.memory_space<hbm>>
      %dma_wait3A_437 = tpu.memref_squeeze %dma_wait3A_436 : memref<1x26x128xi32, #tpu.memory_space<hbm>> -> memref<26x128xi32, #tpu.memory_space<hbm>>
      tpu.wait_dma2 semaphore(%run_scoped3A : memref<!tpu.dma_semaphore, #tpu.memory_space<semaphore_mem>>) src(%dma_wait3A_437 : memref<26x128xi32, #tpu.memory_space<hbm>>) dst(%arg5 : memref<26x128xi32, #tpu.memory_space<vmem>>)
      tpu.yield
    }) : () -> ()
    %scan3A = arith.constant 0 : i32
    %scan3A_3 = arith.constant 0 : i32
    %scan3A_4 = arith.constant 26 : i32
    %scan3A_5 = arith.addi %scan3A_3, %scan3A_4 : i32
    %scan3A_6 = arith.constant 1 : i32
    scf.for %scan3A_422 = %scan3A_3 to %scan3A_5 step %scan3A_6  : i32 {
      %iota3A = tpu.iota {dimensions = array<i32: 0>} : vector<16xi32>
      %mul3A_423 = arith.constant 128 : i32
      %mul3A_424 = arith.muli %scan3A_422, %mul3A_423 : i32
      %add3A_425 = arith.constant 0 : i32
      %add3A_426 = arith.addi %mul3A_424, %add3A_425 : i32
      %add3A_427 = vector.broadcast %add3A_426 : i32 to vector<16xi32>
      %add3A_428 = arith.addi %iota3A, %add3A_427 : vector<16xi32>
      %rem3A = arith.constant 26 : i32
      %rem3A_429 = vector.broadcast %rem3A : i32 to vector<16xi32>
      %rem3A_430 = arith.remsi %add3A_428, %rem3A_429 : vector<16xi32>
      %mul3A_431 = arith.constant 100001 : i32
      %mul3A_432 = vector.broadcast %mul3A_431 : i32 to vector<16xi32>
      %mul3A_433 = arith.muli %rem3A_430, %mul3A_432 : vector<16xi32>
      %get3A = arith.index_cast %scan3A_422 : i32 to index
      %get3A_434 = arith.constant 0 : index
      %get3A_435 = tpu.vector_load %arg5[%get3A, %get3A_434] {strides = array<i32>} : memref<26x128xi32, #tpu.memory_space<vmem>>, vector<1x16xi32>,
      %get3A_436 = vector.shape_cast %get3A_435 : vector<1x16xi32> to vector<16xi32>
      %add3A_437 = arith.addi %get3A_436, %mul3A_433 : vector<16xi32>
      %swap3A = arith.index_cast %scan3A_422 : i32 to index
      %swap3A_438 = arith.constant 0 : index
      %swap3A_439 = tpu.vector_load %arg5[%swap3A, %swap3A_438] {strides = array<i32>} : memref<26x128xi32, #tpu.memory_space<vmem>>, vector<1x16xi32>,
      %swap3A_440 = vector.shape_cast %swap3A_439 : vector<1x16xi32> to vector<16xi32>
      %swap3A_441 = vector.shape_cast %add3A_437 : vector<16xi32> to vector<1x16xi32>
      tpu.vector_store %arg5[%swap3A, %swap3A_438], %swap3A_441 {strides = array<i32>} : memref<26x128xi32, #tpu.memory_space<vmem>>, vector<1x16xi32>,
      %iota3A_442 = tpu.iota {dimensions = array<i32: 0>} : vector<16xi32>
      %mul3A_443 = arith.constant 128 : i32
      %mul3A_444 = arith.muli %scan3A_422, %mul3A_443 : i32
      %add3A_445 = arith.constant 16 : i32
      %add3A_446 = arith.addi %mul3A_444, %add3A_445 : i32
      %add3A_447 = vector.broadcast %add3A_446 : i32 to vector<16xi32>
      %add3A_448 = arith.addi %iota3A_442, %add3A_447 : vector<16xi32>
      %rem3A_449 = arith.constant 26 : i32
      %rem3A_450 = vector.broadcast %rem3A_449 : i32 to vector<16xi32>
      %rem3A_451 = arith.remsi %add3A_448, %rem3A_450 : vector<16xi32>
      %mul3A_452 = arith.constant 100001 : i32
      %mul3A_453 = vector.broadcast %mul3A_452 : i32 to vector<16xi32>
      %mul3A_454 = arith.muli %rem3A_451, %mul3A_453 : vector<16xi32>
      %get3A_455 = arith.index_cast %scan3A_422 : i32 to index
      %get3A_456 = arith.constant 16 : index
      %get3A_457 = tpu.vector_load %arg5[%get3A_455, %get3A_456] {strides = array<i32>} : memref<26x128xi32, #tpu.memory_space<vmem>>, vector<1x16xi32>,
      %get3A_458 = vector.shape_cast %get3A_457 : vector<1x16xi32> to vector<16xi32>
      %add3A_459 = arith.addi %get3A_458, %mul3A_454 : vector<16xi32>
      %swap3A_460 = arith.index_cast %scan3A_422 : i32 to index
      %swap3A_461 = arith.constant 16 : index
      %swap3A_462 = tpu.vector_load %arg5[%swap3A_460, %swap3A_461] {strides = array<i32>} : memref<26x128xi32, #tpu.memory_space<vmem>>, vector<1x16xi32>,
      %swap3A_463 = vector.shape_cast %swap3A_462 : vector<1x16xi32> to vector<16xi32>
      %swap3A_464 = vector.shape_cast %add3A_459 : vector<16xi32> to vector<1x16xi32>
      tpu.vector_store %arg5[%swap3A_460, %swap3A_461], %swap3A_464 {strides = array<i32>} : memref<26x128xi32, #tpu.memory_space<vmem>>, vector<1x16xi32>,
      %iota3A_465 = tpu.iota {dimensions = array<i32: 0>} : vector<16xi32>
      %mul3A_466 = arith.constant 128 : i32
      %mul3A_467 = arith.muli %scan3A_422, %mul3A_466 : i32
      %add3A_468 = arith.constant 32 : i32
      %add3A_469 = arith.addi %mul3A_467, %add3A_468 : i32
      %add3A_470 = vector.broadcast %add3A_469 : i32 to vector<16xi32>
      %add3A_471 = arith.addi %iota3A_465, %add3A_470 : vector<16xi32>
      %rem3A_472 = arith.constant 26 : i32
      %rem3A_473 = vector.broadcast %rem3A_472 : i32 to vector<16xi32>
      %rem3A_474 = arith.remsi %add3A_471, %rem3A_473 : vector<16xi32>
      %mul3A_475 = arith.constant 100001 : i32
      %mul3A_476 = vector.broadcast %mul3A_475 : i32 to vector<16xi32>
      %mul3A_477 = arith.muli %rem3A_474, %mul3A_476 : vector<16xi32>
      %get3A_478 = arith.index_cast %scan3A_422 : i32 to index
      %get3A_479 = arith.constant 32 : index
      %get3A_480 = tpu.vector_load %arg5[%get3A_478, %get3A_479] {strides = array<i32>} : memref<26x128xi32, #tpu.memory_space<vmem>>, vector<1x16xi32>,
      %get3A_481 = vector.shape_cast %get3A_480 : vector<1x16xi32> to vector<16xi32>
      %add3A_482 = arith.addi %get3A_481, %mul3A_477 : vector<16xi32>
      %swap3A_483 = arith.index_cast %scan3A_422 : i32 to index
      %swap3A_484 = arith.constant 32 : index
      %swap3A_485 = tpu.vector_load %arg5[%swap3A_483, %swap3A_484] {strides = array<i32>} : memref<26x128xi32, #tpu.memory_space<vmem>>, vector<1x16xi32>,
      %swap3A_486 = vector.shape_cast %swap3A_485 : vector<1x16xi32> to vector<16xi32>
      %swap3A_487 = vector.shape_cast %add3A_482 : vector<16xi32> to vector<1x16xi32>
      tpu.vector_store %arg5[%swap3A_483, %swap3A_484], %swap3A_487 {strides = array<i32>} : memref<26x128xi32, #tpu.memory_space<vmem>>, vector<1x16xi32>,
      %iota3A_488 = tpu.iota {dimensions = array<i32: 0>} : vector<16xi32>
      %mul3A_489 = arith.constant 128 : i32
      %mul3A_490 = arith.muli %scan3A_422, %mul3A_489 : i32
      %add3A_491 = arith.constant 48 : i32
      %add3A_492 = arith.addi %mul3A_490, %add3A_491 : i32
      %add3A_493 = vector.broadcast %add3A_492 : i32 to vector<16xi32>
      %add3A_494 = arith.addi %iota3A_488, %add3A_493 : vector<16xi32>
      %rem3A_495 = arith.constant 26 : i32
      %rem3A_496 = vector.broadcast %rem3A_495 : i32 to vector<16xi32>
      %rem3A_497 = arith.remsi %add3A_494, %rem3A_496 : vector<16xi32>
      %mul3A_498 = arith.constant 100001 : i32
      %mul3A_499 = vector.broadcast %mul3A_498 : i32 to vector<16xi32>
      %mul3A_500 = arith.muli %rem3A_497, %mul3A_499 : vector<16xi32>
      %get3A_501 = arith.index_cast %scan3A_422 : i32 to index
      %get3A_502 = arith.constant 48 : index
      %get3A_503 = tpu.vector_load %arg5[%get3A_501, %get3A_502] {strides = array<i32>} : memref<26x128xi32, #tpu.memory_space<vmem>>, vector<1x16xi32>,
      %get3A_504 = vector.shape_cast %get3A_503 : vector<1x16xi32> to vector<16xi32>
      %add3A_505 = arith.addi %get3A_504, %mul3A_500 : vector<16xi32>
      %swap3A_506 = arith.index_cast %scan3A_422 : i32 to index
      %swap3A_507 = arith.constant 48 : index
      %swap3A_508 = tpu.vector_load %arg5[%swap3A_506, %swap3A_507] {strides = array<i32>} : memref<26x128xi32, #tpu.memory_space<vmem>>, vector<1x16xi32>,
      %swap3A_509 = vector.shape_cast %swap3A_508 : vector<1x16xi32> to vector<16xi32>
      %swap3A_510 = vector.shape_cast %add3A_505 : vector<16xi32> to vector<1x16xi32>
      tpu.vector_store %arg5[%swap3A_506, %swap3A_507], %swap3A_510 {strides = array<i32>} : memref<26x128xi32, #tpu.memory_space<vmem>>, vector<1x16xi32>,
      %iota3A_511 = tpu.iota {dimensions = array<i32: 0>} : vector<16xi32>
      %mul3A_512 = arith.constant 128 : i32
      %mul3A_513 = arith.muli %scan3A_422, %mul3A_512 : i32
      %add3A_514 = arith.constant 64 : i32
      %add3A_515 = arith.addi %mul3A_513, %add3A_514 : i32
      %add3A_516 = vector.broadcast %add3A_515 : i32 to vector<16xi32>
      %add3A_517 = arith.addi %iota3A_511, %add3A_516 : vector<16xi32>
      %rem3A_518 = arith.constant 26 : i32
      %rem3A_519 = vector.broadcast %rem3A_518 : i32 to vector<16xi32>
      %rem3A_520 = arith.remsi %add3A_517, %rem3A_519 : vector<16xi32>
      %mul3A_521 = arith.constant 100001 : i32
      %mul3A_522 = vector.broadcast %mul3A_521 : i32 to vector<16xi32>
      %mul3A_523 = arith.muli %rem3A_520, %mul3A_522 : vector<16xi32>
      %get3A_524 = arith.index_cast %scan3A_422 : i32 to index
      %get3A_525 = arith.constant 64 : index
      %get3A_526 = tpu.vector_load %arg5[%get3A_524, %get3A_525] {strides = array<i32>} : memref<26x128xi32, #tpu.memory_space<vmem>>, vector<1x16xi32>,
      %get3A_527 = vector.shape_cast %get3A_526 : vector<1x16xi32> to vector<16xi32>
      %add3A_528 = arith.addi %get3A_527, %mul3A_523 : vector<16xi32>
      %swap3A_529 = arith.index_cast %scan3A_422 : i32 to index
      %swap3A_530 = arith.constant 64 : index
      %swap3A_531 = tpu.vector_load %arg5[%swap3A_529, %swap3A_530] {strides = array<i32>} : memref<26x128xi32, #tpu.memory_space<vmem>>, vector<1x16xi32>,
      %swap3A_532 = vector.shape_cast %swap3A_531 : vector<1x16xi32> to vector<16xi32>
      %swap3A_533 = vector.shape_cast %add3A_528 : vector<16xi32> to vector<1x16xi32>
      tpu.vector_store %arg5[%swap3A_529, %swap3A_530], %swap3A_533 {strides = array<i32>} : memref<26x128xi32, #tpu.memory_space<vmem>>, vector<1x16xi32>,
      %iota3A_534 = tpu.iota {dimensions = array<i32: 0>} : vector<16xi32>
      %mul3A_535 = arith.constant 128 : i32
      %mul3A_536 = arith.muli %scan3A_422, %mul3A_535 : i32
      %add3A_537 = arith.constant 80 : i32
      %add3A_538 = arith.addi %mul3A_536, %add3A_537 : i32
      %add3A_539 = vector.broadcast %add3A_538 : i32 to vector<16xi32>
      %add3A_540 = arith.addi %iota3A_534, %add3A_539 : vector<16xi32>
      %rem3A_541 = arith.constant 26 : i32
      %rem3A_542 = vector.broadcast %rem3A_541 : i32 to vector<16xi32>
      %rem3A_543 = arith.remsi %add3A_540, %rem3A_542 : vector<16xi32>
      %mul3A_544 = arith.constant 100001 : i32
      %mul3A_545 = vector.broadcast %mul3A_544 : i32 to vector<16xi32>
      %mul3A_546 = arith.muli %rem3A_543, %mul3A_545 : vector<16xi32>
      %get3A_547 = arith.index_cast %scan3A_422 : i32 to index
      %get3A_548 = arith.constant 80 : index
      %get3A_549 = tpu.vector_load %arg5[%get3A_547, %get3A_548] {strides = array<i32>} : memref<26x128xi32, #tpu.memory_space<vmem>>, vector<1x16xi32>,
      %get3A_550 = vector.shape_cast %get3A_549 : vector<1x16xi32> to vector<16xi32>
      %add3A_551 = arith.addi %get3A_550, %mul3A_546 : vector<16xi32>
      %swap3A_552 = arith.index_cast %scan3A_422 : i32 to index
      %swap3A_553 = arith.constant 80 : index
      %swap3A_554 = tpu.vector_load %arg5[%swap3A_552, %swap3A_553] {strides = array<i32>} : memref<26x128xi32, #tpu.memory_space<vmem>>, vector<1x16xi32>,
      %swap3A_555 = vector.shape_cast %swap3A_554 : vector<1x16xi32> to vector<16xi32>
      %swap3A_556 = vector.shape_cast %add3A_551 : vector<16xi32> to vector<1x16xi32>
      tpu.vector_store %arg5[%swap3A_552, %swap3A_553], %swap3A_556 {strides = array<i32>} : memref<26x128xi32, #tpu.memory_space<vmem>>, vector<1x16xi32>,
      %iota3A_557 = tpu.iota {dimensions = array<i32: 0>} : vector<16xi32>
      %mul3A_558 = arith.constant 128 : i32
      %mul3A_559 = arith.muli %scan3A_422, %mul3A_558 : i32
      %add3A_560 = arith.constant 96 : i32
      %add3A_561 = arith.addi %mul3A_559, %add3A_560 : i32
      %add3A_562 = vector.broadcast %add3A_561 : i32 to vector<16xi32>
      %add3A_563 = arith.addi %iota3A_557, %add3A_562 : vector<16xi32>
      %rem3A_564 = arith.constant 26 : i32
      %rem3A_565 = vector.broadcast %rem3A_564 : i32 to vector<16xi32>
      %rem3A_566 = arith.remsi %add3A_563, %rem3A_565 : vector<16xi32>
      %mul3A_567 = arith.constant 100001 : i32
      %mul3A_568 = vector.broadcast %mul3A_567 : i32 to vector<16xi32>
      %mul3A_569 = arith.muli %rem3A_566, %mul3A_568 : vector<16xi32>
      %get3A_570 = arith.index_cast %scan3A_422 : i32 to index
      %get3A_571 = arith.constant 96 : index
      %get3A_572 = tpu.vector_load %arg5[%get3A_570, %get3A_571] {strides = array<i32>} : memref<26x128xi32, #tpu.memory_space<vmem>>, vector<1x16xi32>,
      %get3A_573 = vector.shape_cast %get3A_572 : vector<1x16xi32> to vector<16xi32>
      %add3A_574 = arith.addi %get3A_573, %mul3A_569 : vector<16xi32>
      %swap3A_575 = arith.index_cast %scan3A_422 : i32 to index
      %swap3A_576 = arith.constant 96 : index
      %swap3A_577 = tpu.vector_load %arg5[%swap3A_575, %swap3A_576] {strides = array<i32>} : memref<26x128xi32, #tpu.memory_space<vmem>>, vector<1x16xi32>,
      %swap3A_578 = vector.shape_cast %swap3A_577 : vector<1x16xi32> to vector<16xi32>
      %swap3A_579 = vector.shape_cast %add3A_574 : vector<16xi32> to vector<1x16xi32>
      tpu.vector_store %arg5[%swap3A_575, %swap3A_576], %swap3A_579 {strides = array<i32>} : memref<26x128xi32, #tpu.memory_space<vmem>>, vector<1x16xi32>,
      %iota3A_580 = tpu.iota {dimensions = array<i32: 0>} : vector<16xi32>
      %mul3A_581 = arith.constant 128 : i32
      %mul3A_582 = arith.muli %scan3A_422, %mul3A_581 : i32
      %add3A_583 = arith.constant 112 : i32
      %add3A_584 = arith.addi %mul3A_582, %add3A_583 : i32
      %add3A_585 = vector.broadcast %add3A_584 : i32 to vector<16xi32>
      %add3A_586 = arith.addi %iota3A_580, %add3A_585 : vector<16xi32>
      %rem3A_587 = arith.constant 26 : i32
      %rem3A_588 = vector.broadcast %rem3A_587 : i32 to vector<16xi32>
      %rem3A_589 = arith.remsi %add3A_586, %rem3A_588 : vector<16xi32>
      %mul3A_590 = arith.constant 100001 : i32
      %mul3A_591 = vector.broadcast %mul3A_590 : i32 to vector<16xi32>
      %mul3A_592 = arith.muli %rem3A_589, %mul3A_591 : vector<16xi32>
      %get3A_593 = arith.index_cast %scan3A_422 : i32 to index
      %get3A_594 = arith.constant 112 : index
      %get3A_595 = tpu.vector_load %arg5[%get3A_593, %get3A_594] {strides = array<i32>} : memref<26x128xi32, #tpu.memory_space<vmem>>, vector<1x16xi32>,
      %get3A_596 = vector.shape_cast %get3A_595 : vector<1x16xi32> to vector<16xi32>
      %add3A_597 = arith.addi %get3A_596, %mul3A_592 : vector<16xi32>
      %swap3A_598 = arith.index_cast %scan3A_422 : i32 to index
      %swap3A_599 = arith.constant 112 : index
      %swap3A_600 = tpu.vector_load %arg5[%swap3A_598, %swap3A_599] {strides = array<i32>} : memref<26x128xi32, #tpu.memory_space<vmem>>, vector<1x16xi32>,
      %swap3A_601 = vector.shape_cast %swap3A_600 : vector<1x16xi32> to vector<16xi32>
      %swap3A_602 = vector.shape_cast %add3A_597 : vector<16xi32> to vector<1x16xi32>
      tpu.vector_store %arg5[%swap3A_598, %swap3A_599], %swap3A_602 {strides = array<i32>} : memref<26x128xi32, #tpu.memory_space<vmem>>, vector<1x16xi32>,
    }
    %scan3A_7 = arith.constant 26 : i32
    %dma_start3A = arith.constant 0 : i32
    %dma_start3A_8 = arith.constant 0 : i32
    %dma_start3A_9 = tpu.memref_slice %arg5[%dma_start3A, %dma_start3A_8] : memref<26x128xi32, #tpu.memory_space<vmem>> -> memref<1x128xi32, #tpu.memory_space<vmem>>
    %dma_start3A_10 = tpu.memref_squeeze %dma_start3A_9 : memref<1x128xi32, #tpu.memory_space<vmem>> -> memref<128xi32, #tpu.memory_space<vmem>>
    %dma_start3A_11 = arith.constant 0 : i32
    %dma_start3A_12 = arith.constant 0 : i32
    %dma_start3A_13 = tpu.memref_slice %arg2[%dma_start3A_11, %dma_start3A_12] : memref<2600026x64xf32, #tpu.memory_space<hbm>> -> memref<2600026x64xf32, #tpu.memory_space<hbm>>
    tpu.enqueue_indirect_dma source(%dma_start3A_13 : memref<2600026x64xf32, #tpu.memory_space<hbm>>) target(%arg6 : memref<128x64xf32, #tpu.memory_space<vmem>>) offsets(%dma_start3A_10 : memref<128xi32, #tpu.memory_space<vmem>>) semaphore(%arg8 : memref<!tpu.dma_semaphore, #tpu.memory_space<semaphore_mem>>)
    %dma_start3A_14 = arith.constant 1 : i32
    %dma_start3A_15 = arith.constant 0 : i32
    %dma_start3A_16 = tpu.memref_slice %arg5[%dma_start3A_14, %dma_start3A_15] : memref<26x128xi32, #tpu.memory_space<vmem>> -> memref<1x128xi32, #tpu.memory_space<vmem>>
    %dma_start3A_17 = tpu.memref_squeeze %dma_start3A_16 : memref<1x128xi32, #tpu.memory_space<vmem>> -> memref<128xi32, #tpu.memory_space<vmem>>
    %dma_start3A_18 = arith.constant 0 : i32
    %dma_start3A_19 = arith.constant 0 : i32
    %dma_start3A_20 = tpu.memref_slice %arg2[%dma_start3A_18, %dma_start3A_19] : memref<2600026x64xf32, #tpu.memory_space<hbm>> -> memref<2600026x64xf32, #tpu.memory_space<hbm>>
    tpu.enqueue_indirect_dma source(%dma_start3A_20 : memref<2600026x64xf32, #tpu.memory_space<hbm>>) target(%arg7 : memref<128x64xf32, #tpu.memory_space<vmem>>) offsets(%dma_start3A_17 : memref<128xi32, #tpu.memory_space<vmem>>) semaphore(%arg9 : memref<!tpu.dma_semaphore, #tpu.memory_space<semaphore_mem>>)
    %dma_wait3A = arith.constant 0 : i32
    %dma_wait3A_21 = arith.constant 0 : i32
    %dma_wait3A_22 = tpu.memref_slice %arg5[%dma_wait3A, %dma_wait3A_21] : memref<26x128xi32, #tpu.memory_space<vmem>> -> memref<1x128xi32, #tpu.memory_space<vmem>>
    %dma_wait3A_23 = tpu.memref_squeeze %dma_wait3A_22 : memref<1x128xi32, #tpu.memory_space<vmem>> -> memref<128xi32, #tpu.memory_space<vmem>>
    %dma_wait3A_24 = arith.constant 0 : i32
    %dma_wait3A_25 = arith.constant 0 : i32
    %dma_wait3A_26 = tpu.memref_slice %arg2[%dma_wait3A_24, %dma_wait3A_25] : memref<2600026x64xf32, #tpu.memory_space<hbm>> -> memref<2600026x64xf32, #tpu.memory_space<hbm>>
    tpu.wait_indirect_dma semaphore(%arg8 : memref<!tpu.dma_semaphore, #tpu.memory_space<semaphore_mem>>) src(%dma_wait3A_26 : memref<2600026x64xf32, #tpu.memory_space<hbm>>) dst(%arg6 : memref<128x64xf32, #tpu.memory_space<vmem>>)
    %add3A_27 = arith.constant 0 : i32
    %add3A_28 = arith.addi %mul3A_2, %add3A_27 : i32
    "tpu.region"() ({
      %run_scoped3A = tpu.sem_alloc : memref<!tpu.dma_semaphore, #tpu.memory_space<semaphore_mem>>
      %dma_start3A_422 = arith.constant 0 : i32
      %dma_start3A_423 = tpu.memref_slice %arg4[%add3A_28, %dma_start3A_422] : memref<106496x64xf32, #tpu.memory_space<hbm>> -> memref<128x64xf32, #tpu.memory_space<hbm>>
      %dma_start3A_424 = arith.constant 0 : i32
      %dma_start3A_425 = tpu.memref_slice %arg4[%add3A_28, %dma_start3A_424] : memref<106496x64xf32, #tpu.memory_space<hbm>> -> memref<128x64xf32, #tpu.memory_space<hbm>>
      tpu.enqueue_dma source(%arg6 : memref<128x64xf32, #tpu.memory_space<vmem>>) target(%dma_start3A_425 : memref<128x64xf32, #tpu.memory_space<hbm>>) target_semaphore(%run_scoped3A : memref<!tpu.dma_semaphore, #tpu.memory_space<semaphore_mem>>)
      %dma_wait3A_426 = arith.constant 0 : i32
      %dma_wait3A_427 = tpu.memref_slice %arg4[%add3A_28, %dma_wait3A_426] : memref<106496x64xf32, #tpu.memory_space<hbm>> -> memref<128x64xf32, #tpu.memory_space<hbm>>
      %dma_wait3A_428 = arith.constant 0 : i32
      %dma_wait3A_429 = tpu.memref_slice %arg4[%add3A_28, %dma_wait3A_428] : memref<106496x64xf32, #tpu.memory_space<hbm>> -> memref<128x64xf32, #tpu.memory_space<hbm>>
      tpu.wait_dma2 semaphore(%run_scoped3A : memref<!tpu.dma_semaphore, #tpu.memory_space<semaphore_mem>>) src(%arg6 : memref<128x64xf32, #tpu.memory_space<vmem>>) dst(%dma_wait3A_429 : memref<128x64xf32, #tpu.memory_space<hbm>>)
      tpu.yield
    }) : () -> ()
    %dma_start3A_29 = arith.constant 2 : i32
    %dma_start3A_30 = arith.constant 0 : i32
    %dma_start3A_31 = tpu.memref_slice %arg5[%dma_start3A_29, %dma_start3A_30] : memref<26x128xi32, #tpu.memory_space<vmem>> -> memref<1x128xi32, #tpu.memory_space<vmem>>
    %dma_start3A_32 = tpu.memref_squeeze %dma_start3A_31 : memref<1x128xi32, #tpu.memory_space<vmem>> -> memref<128xi32, #tpu.memory_space<vmem>>
    %dma_start3A_33 = arith.constant 0 : i32
    %dma_start3A_34 = arith.constant 0 : i32
    %dma_start3A_35 = tpu.memref_slice %arg2[%dma_start3A_33, %dma_start3A_34] : memref<2600026x64xf32, #tpu.memory_space<hbm>> -> memref<2600026x64xf32, #tpu.memory_space<hbm>>
    tpu.enqueue_indirect_dma source(%dma_start3A_35 : memref<2600026x64xf32, #tpu.memory_space<hbm>>) target(%arg6 : memref<128x64xf32, #tpu.memory_space<vmem>>) offsets(%dma_start3A_32 : memref<128xi32, #tpu.memory_space<vmem>>) semaphore(%arg8 : memref<!tpu.dma_semaphore, #tpu.memory_space<semaphore_mem>>)
    %dma_wait3A_36 = arith.constant 1 : i32
    %dma_wait3A_37 = arith.constant 0 : i32
    %dma_wait3A_38 = tpu.memref_slice %arg5[%dma_wait3A_36, %dma_wait3A_37] : memref<26x128xi32, #tpu.memory_space<vmem>> -> memref<1x128xi32, #tpu.memory_space<vmem>>
    %dma_wait3A_39 = tpu.memref_squeeze %dma_wait3A_38 : memref<1x128xi32, #tpu.memory_space<vmem>> -> memref<128xi32, #tpu.memory_space<vmem>>
    %dma_wait3A_40 = arith.constant 0 : i32
    %dma_wait3A_41 = arith.constant 0 : i32
    %dma_wait3A_42 = tpu.memref_slice %arg2[%dma_wait3A_40, %dma_wait3A_41] : memref<2600026x64xf32, #tpu.memory_space<hbm>> -> memref<2600026x64xf32, #tpu.memory_space<hbm>>
    tpu.wait_indirect_dma semaphore(%arg9 : memref<!tpu.dma_semaphore, #tpu.memory_space<semaphore_mem>>) src(%dma_wait3A_42 : memref<2600026x64xf32, #tpu.memory_space<hbm>>) dst(%arg7 : memref<128x64xf32, #tpu.memory_space<vmem>>)
    %add3A_43 = arith.constant 128 : i32
    %add3A_44 = arith.addi %mul3A_2, %add3A_43 : i32
    "tpu.region"() ({
      %run_scoped3A = tpu.sem_alloc : memref<!tpu.dma_semaphore, #tpu.memory_space<semaphore_mem>>
      %dma_start3A_422 = arith.constant 0 : i32
      %dma_start3A_423 = tpu.memref_slice %arg4[%add3A_44, %dma_start3A_422] : memref<106496x64xf32, #tpu.memory_space<hbm>> -> memref<128x64xf32, #tpu.memory_space<hbm>>
      %dma_start3A_424 = arith.constant 0 : i32
      %dma_start3A_425 = tpu.memref_slice %arg4[%add3A_44, %dma_start3A_424] : memref<106496x64xf32, #tpu.memory_space<hbm>> -> memref<128x64xf32, #tpu.memory_space<hbm>>
      tpu.enqueue_dma source(%arg7 : memref<128x64xf32, #tpu.memory_space<vmem>>) target(%dma_start3A_425 : memref<128x64xf32, #tpu.memory_space<hbm>>) target_semaphore(%run_scoped3A : memref<!tpu.dma_semaphore, #tpu.memory_space<semaphore_mem>>)
      %dma_wait3A_426 = arith.constant 0 : i32
      %dma_wait3A_427 = tpu.memref_slice %arg4[%add3A_44, %dma_wait3A_426] : memref<106496x64xf32, #tpu.memory_space<hbm>> -> memref<128x64xf32, #tpu.memory_space<hbm>>
      %dma_wait3A_428 = arith.constant 0 : i32
      %dma_wait3A_429 = tpu.memref_slice %arg4[%add3A_44, %dma_wait3A_428] : memref<106496x64xf32, #tpu.memory_space<hbm>> -> memref<128x64xf32, #tpu.memory_space<hbm>>
      tpu.wait_dma2 semaphore(%run_scoped3A : memref<!tpu.dma_semaphore, #tpu.memory_space<semaphore_mem>>) src(%arg7 : memref<128x64xf32, #tpu.memory_space<vmem>>) dst(%dma_wait3A_429 : memref<128x64xf32, #tpu.memory_space<hbm>>)
      tpu.yield
    }) : () -> ()
    %dma_start3A_45 = arith.constant 3 : i32
    %dma_start3A_46 = arith.constant 0 : i32
    %dma_start3A_47 = tpu.memref_slice %arg5[%dma_start3A_45, %dma_start3A_46] : memref<26x128xi32, #tpu.memory_space<vmem>> -> memref<1x128xi32, #tpu.memory_space<vmem>>
    %dma_start3A_48 = tpu.memref_squeeze %dma_start3A_47 : memref<1x128xi32, #tpu.memory_space<vmem>> -> memref<128xi32, #tpu.memory_space<vmem>>
    %dma_start3A_49 = arith.constant 0 : i32
    %dma_start3A_50 = arith.constant 0 : i32
    %dma_start3A_51 = tpu.memref_slice %arg2[%dma_start3A_49, %dma_start3A_50] : memref<2600026x64xf32, #tpu.memory_space<hbm>> -> memref<2600026x64xf32, #tpu.memory_space<hbm>>
    tpu.enqueue_indirect_dma source(%dma_start3A_51 : memref<2600026x64xf32, #tpu.memory_space<hbm>>) target(%arg7 : memref<128x64xf32, #tpu.memory_space<vmem>>) offsets(%dma_start3A_48 : memref<128xi32, #tpu.memory_space<vmem>>) semaphore(%arg9 : memref<!tpu.dma_semaphore, #tpu.memory_space<semaphore_mem>>)
    %dma_wait3A_52 = arith.constant 2 : i32
    %dma_wait3A_53 = arith.constant 0 : i32
    %dma_wait3A_54 = tpu.memref_slice %arg5[%dma_wait3A_52, %dma_wait3A_53] : memref<26x128xi32, #tpu.memory_space<vmem>> -> memref<1x128xi32, #tpu.memory_space<vmem>>
    %dma_wait3A_55 = tpu.memref_squeeze %dma_wait3A_54 : memref<1x128xi32, #tpu.memory_space<vmem>> -> memref<128xi32, #tpu.memory_space<vmem>>
    %dma_wait3A_56 = arith.constant 0 : i32
    %dma_wait3A_57 = arith.constant 0 : i32
    %dma_wait3A_58 = tpu.memref_slice %arg2[%dma_wait3A_56, %dma_wait3A_57] : memref<2600026x64xf32, #tpu.memory_space<hbm>> -> memref<2600026x64xf32, #tpu.memory_space<hbm>>
    tpu.wait_indirect_dma semaphore(%arg8 : memref<!tpu.dma_semaphore, #tpu.memory_space<semaphore_mem>>) src(%dma_wait3A_58 : memref<2600026x64xf32, #tpu.memory_space<hbm>>) dst(%arg6 : memref<128x64xf32, #tpu.memory_space<vmem>>)
    %add3A_59 = arith.constant 256 : i32
    %add3A_60 = arith.addi %mul3A_2, %add3A_59 : i32
    "tpu.region"() ({
      %run_scoped3A = tpu.sem_alloc : memref<!tpu.dma_semaphore, #tpu.memory_space<semaphore_mem>>
      %dma_start3A_422 = arith.constant 0 : i32
      %dma_start3A_423 = tpu.memref_slice %arg4[%add3A_60, %dma_start3A_422] : memref<106496x64xf32, #tpu.memory_space<hbm>> -> memref<128x64xf32, #tpu.memory_space<hbm>>
      %dma_start3A_424 = arith.constant 0 : i32
      %dma_start3A_425 = tpu.memref_slice %arg4[%add3A_60, %dma_start3A_424] : memref<106496x64xf32, #tpu.memory_space<hbm>> -> memref<128x64xf32, #tpu.memory_space<hbm>>
      tpu.enqueue_dma source(%arg6 : memref<128x64xf32, #tpu.memory_space<vmem>>) target(%dma_start3A_425 : memref<128x64xf32, #tpu.memory_space<hbm>>) target_semaphore(%run_scoped3A : memref<!tpu.dma_semaphore, #tpu.memory_space<semaphore_mem>>)
      %dma_wait3A_426 = arith.constant 0 : i32
      %dma_wait3A_427 = tpu.memref_slice %arg4[%add3A_60, %dma_wait3A_426] : memref<106496x64xf32, #tpu.memory_space<hbm>> -> memref<128x64xf32, #tpu.memory_space<hbm>>
      %dma_wait3A_428 = arith.constant 0 : i32
      %dma_wait3A_429 = tpu.memref_slice %arg4[%add3A_60, %dma_wait3A_428] : memref<106496x64xf32, #tpu.memory_space<hbm>> -> memref<128x64xf32, #tpu.memory_space<hbm>>
      tpu.wait_dma2 semaphore(%run_scoped3A : memref<!tpu.dma_semaphore, #tpu.memory_space<semaphore_mem>>) src(%arg6 : memref<128x64xf32, #tpu.memory_space<vmem>>) dst(%dma_wait3A_429 : memref<128x64xf32, #tpu.memory_space<hbm>>)
      tpu.yield
    }) : () -> ()
    %dma_start3A_61 = arith.constant 4 : i32
    %dma_start3A_62 = arith.constant 0 : i32
    %dma_start3A_63 = tpu.memref_slice %arg5[%dma_start3A_61, %dma_start3A_62] : memref<26x128xi32, #tpu.memory_space<vmem>> -> memref<1x128xi32, #tpu.memory_space<vmem>>
    %dma_start3A_64 = tpu.memref_squeeze %dma_start3A_63 : memref<1x128xi32, #tpu.memory_space<vmem>> -> memref<128xi32, #tpu.memory_space<vmem>>
    %dma_start3A_65 = arith.constant 0 : i32
    %dma_start3A_66 = arith.constant 0 : i32
    %dma_start3A_67 = tpu.memref_slice %arg2[%dma_start3A_65, %dma_start3A_66] : memref<2600026x64xf32, #tpu.memory_space<hbm>> -> memref<2600026x64xf32, #tpu.memory_space<hbm>>
    tpu.enqueue_indirect_dma source(%dma_start3A_67 : memref<2600026x64xf32, #tpu.memory_space<hbm>>) target(%arg6 : memref<128x64xf32, #tpu.memory_space<vmem>>) offsets(%dma_start3A_64 : memref<128xi32, #tpu.memory_space<vmem>>) semaphore(%arg8 : memref<!tpu.dma_semaphore, #tpu.memory_space<semaphore_mem>>)
    %dma_wait3A_68 = arith.constant 3 : i32
    %dma_wait3A_69 = arith.constant 0 : i32
    %dma_wait3A_70 = tpu.memref_slice %arg5[%dma_wait3A_68, %dma_wait3A_69] : memref<26x128xi32, #tpu.memory_space<vmem>> -> memref<1x128xi32, #tpu.memory_space<vmem>>
    %dma_wait3A_71 = tpu.memref_squeeze %dma_wait3A_70 : memref<1x128xi32, #tpu.memory_space<vmem>> -> memref<128xi32, #tpu.memory_space<vmem>>
    %dma_wait3A_72 = arith.constant 0 : i32
    %dma_wait3A_73 = arith.constant 0 : i32
    %dma_wait3A_74 = tpu.memref_slice %arg2[%dma_wait3A_72, %dma_wait3A_73] : memref<2600026x64xf32, #tpu.memory_space<hbm>> -> memref<2600026x64xf32, #tpu.memory_space<hbm>>
    tpu.wait_indirect_dma semaphore(%arg9 : memref<!tpu.dma_semaphore, #tpu.memory_space<semaphore_mem>>) src(%dma_wait3A_74 : memref<2600026x64xf32, #tpu.memory_space<hbm>>) dst(%arg7 : memref<128x64xf32, #tpu.memory_space<vmem>>)
    %add3A_75 = arith.constant 384 : i32
    %add3A_76 = arith.addi %mul3A_2, %add3A_75 : i32
    "tpu.region"() ({
      %run_scoped3A = tpu.sem_alloc : memref<!tpu.dma_semaphore, #tpu.memory_space<semaphore_mem>>
      %dma_start3A_422 = arith.constant 0 : i32
      %dma_start3A_423 = tpu.memref_slice %arg4[%add3A_76, %dma_start3A_422] : memref<106496x64xf32, #tpu.memory_space<hbm>> -> memref<128x64xf32, #tpu.memory_space<hbm>>
      %dma_start3A_424 = arith.constant 0 : i32
      %dma_start3A_425 = tpu.memref_slice %arg4[%add3A_76, %dma_start3A_424] : memref<106496x64xf32, #tpu.memory_space<hbm>> -> memref<128x64xf32, #tpu.memory_space<hbm>>
      tpu.enqueue_dma source(%arg7 : memref<128x64xf32, #tpu.memory_space<vmem>>) target(%dma_start3A_425 : memref<128x64xf32, #tpu.memory_space<hbm>>) target_semaphore(%run_scoped3A : memref<!tpu.dma_semaphore, #tpu.memory_space<semaphore_mem>>)
      %dma_wait3A_426 = arith.constant 0 : i32
      %dma_wait3A_427 = tpu.memref_slice %arg4[%add3A_76, %dma_wait3A_426] : memref<106496x64xf32, #tpu.memory_space<hbm>> -> memref<128x64xf32, #tpu.memory_space<hbm>>
      %dma_wait3A_428 = arith.constant 0 : i32
      %dma_wait3A_429 = tpu.memref_slice %arg4[%add3A_76, %dma_wait3A_428] : memref<106496x64xf32, #tpu.memory_space<hbm>> -> memref<128x64xf32, #tpu.memory_space<hbm>>
      tpu.wait_dma2 semaphore(%run_scoped3A : memref<!tpu.dma_semaphore, #tpu.memory_space<semaphore_mem>>) src(%arg7 : memref<128x64xf32, #tpu.memory_space<vmem>>) dst(%dma_wait3A_429 : memref<128x64xf32, #tpu.memory_space<hbm>>)
      tpu.yield
    }) : () -> ()
    %dma_start3A_77 = arith.constant 5 : i32
    %dma_start3A_78 = arith.constant 0 : i32
    %dma_start3A_79 = tpu.memref_slice %arg5[%dma_start3A_77, %dma_start3A_78] : memref<26x128xi32, #tpu.memory_space<vmem>> -> memref<1x128xi32, #tpu.memory_space<vmem>>
    %dma_start3A_80 = tpu.memref_squeeze %dma_start3A_79 : memref<1x128xi32, #tpu.memory_space<vmem>> -> memref<128xi32, #tpu.memory_space<vmem>>
    %dma_start3A_81 = arith.constant 0 : i32
    %dma_start3A_82 = arith.constant 0 : i32
    %dma_start3A_83 = tpu.memref_slice %arg2[%dma_start3A_81, %dma_start3A_82] : memref<2600026x64xf32, #tpu.memory_space<hbm>> -> memref<2600026x64xf32, #tpu.memory_space<hbm>>
    tpu.enqueue_indirect_dma source(%dma_start3A_83 : memref<2600026x64xf32, #tpu.memory_space<hbm>>) target(%arg7 : memref<128x64xf32, #tpu.memory_space<vmem>>) offsets(%dma_start3A_80 : memref<128xi32, #tpu.memory_space<vmem>>) semaphore(%arg9 : memref<!tpu.dma_semaphore, #tpu.memory_space<semaphore_mem>>)
    %dma_wait3A_84 = arith.constant 4 : i32
    %dma_wait3A_85 = arith.constant 0 : i32
    %dma_wait3A_86 = tpu.memref_slice %arg5[%dma_wait3A_84, %dma_wait3A_85] : memref<26x128xi32, #tpu.memory_space<vmem>> -> memref<1x128xi32, #tpu.memory_space<vmem>>
    %dma_wait3A_87 = tpu.memref_squeeze %dma_wait3A_86 : memref<1x128xi32, #tpu.memory_space<vmem>> -> memref<128xi32, #tpu.memory_space<vmem>>
    %dma_wait3A_88 = arith.constant 0 : i32
    %dma_wait3A_89 = arith.constant 0 : i32
    %dma_wait3A_90 = tpu.memref_slice %arg2[%dma_wait3A_88, %dma_wait3A_89] : memref<2600026x64xf32, #tpu.memory_space<hbm>> -> memref<2600026x64xf32, #tpu.memory_space<hbm>>
    tpu.wait_indirect_dma semaphore(%arg8 : memref<!tpu.dma_semaphore, #tpu.memory_space<semaphore_mem>>) src(%dma_wait3A_90 : memref<2600026x64xf32, #tpu.memory_space<hbm>>) dst(%arg6 : memref<128x64xf32, #tpu.memory_space<vmem>>)
    %add3A_91 = arith.constant 512 : i32
    %add3A_92 = arith.addi %mul3A_2, %add3A_91 : i32
    "tpu.region"() ({
      %run_scoped3A = tpu.sem_alloc : memref<!tpu.dma_semaphore, #tpu.memory_space<semaphore_mem>>
      %dma_start3A_422 = arith.constant 0 : i32
      %dma_start3A_423 = tpu.memref_slice %arg4[%add3A_92, %dma_start3A_422] : memref<106496x64xf32, #tpu.memory_space<hbm>> -> memref<128x64xf32, #tpu.memory_space<hbm>>
      %dma_start3A_424 = arith.constant 0 : i32
      %dma_start3A_425 = tpu.memref_slice %arg4[%add3A_92, %dma_start3A_424] : memref<106496x64xf32, #tpu.memory_space<hbm>> -> memref<128x64xf32, #tpu.memory_space<hbm>>
      tpu.enqueue_dma source(%arg6 : memref<128x64xf32, #tpu.memory_space<vmem>>) target(%dma_start3A_425 : memref<128x64xf32, #tpu.memory_space<hbm>>) target_semaphore(%run_scoped3A : memref<!tpu.dma_semaphore, #tpu.memory_space<semaphore_mem>>)
      %dma_wait3A_426 = arith.constant 0 : i32
      %dma_wait3A_427 = tpu.memref_slice %arg4[%add3A_92, %dma_wait3A_426] : memref<106496x64xf32, #tpu.memory_space<hbm>> -> memref<128x64xf32, #tpu.memory_space<hbm>>
      %dma_wait3A_428 = arith.constant 0 : i32
      %dma_wait3A_429 = tpu.memref_slice %arg4[%add3A_92, %dma_wait3A_428] : memref<106496x64xf32, #tpu.memory_space<hbm>> -> memref<128x64xf32, #tpu.memory_space<hbm>>
      tpu.wait_dma2 semaphore(%run_scoped3A : memref<!tpu.dma_semaphore, #tpu.memory_space<semaphore_mem>>) src(%arg6 : memref<128x64xf32, #tpu.memory_space<vmem>>) dst(%dma_wait3A_429 : memref<128x64xf32, #tpu.memory_space<hbm>>)
      tpu.yield
    }) : () -> ()
    %dma_start3A_93 = arith.constant 6 : i32
    %dma_start3A_94 = arith.constant 0 : i32
    %dma_start3A_95 = tpu.memref_slice %arg5[%dma_start3A_93, %dma_start3A_94] : memref<26x128xi32, #tpu.memory_space<vmem>> -> memref<1x128xi32, #tpu.memory_space<vmem>>
    %dma_start3A_96 = tpu.memref_squeeze %dma_start3A_95 : memref<1x128xi32, #tpu.memory_space<vmem>> -> memref<128xi32, #tpu.memory_space<vmem>>
    %dma_start3A_97 = arith.constant 0 : i32
    %dma_start3A_98 = arith.constant 0 : i32
    %dma_start3A_99 = tpu.memref_slice %arg2[%dma_start3A_97, %dma_start3A_98] : memref<2600026x64xf32, #tpu.memory_space<hbm>> -> memref<2600026x64xf32, #tpu.memory_space<hbm>>
    tpu.enqueue_indirect_dma source(%dma_start3A_99 : memref<2600026x64xf32, #tpu.memory_space<hbm>>) target(%arg6 : memref<128x64xf32, #tpu.memory_space<vmem>>) offsets(%dma_start3A_96 : memref<128xi32, #tpu.memory_space<vmem>>) semaphore(%arg8 : memref<!tpu.dma_semaphore, #tpu.memory_space<semaphore_mem>>)
    %dma_wait3A_100 = arith.constant 5 : i32
    %dma_wait3A_101 = arith.constant 0 : i32
    %dma_wait3A_102 = tpu.memref_slice %arg5[%dma_wait3A_100, %dma_wait3A_101] : memref<26x128xi32, #tpu.memory_space<vmem>> -> memref<1x128xi32, #tpu.memory_space<vmem>>
    %dma_wait3A_103 = tpu.memref_squeeze %dma_wait3A_102 : memref<1x128xi32, #tpu.memory_space<vmem>> -> memref<128xi32, #tpu.memory_space<vmem>>
    %dma_wait3A_104 = arith.constant 0 : i32
    %dma_wait3A_105 = arith.constant 0 : i32
    %dma_wait3A_106 = tpu.memref_slice %arg2[%dma_wait3A_104, %dma_wait3A_105] : memref<2600026x64xf32, #tpu.memory_space<hbm>> -> memref<2600026x64xf32, #tpu.memory_space<hbm>>
    tpu.wait_indirect_dma semaphore(%arg9 : memref<!tpu.dma_semaphore, #tpu.memory_space<semaphore_mem>>) src(%dma_wait3A_106 : memref<2600026x64xf32, #tpu.memory_space<hbm>>) dst(%arg7 : memref<128x64xf32, #tpu.memory_space<vmem>>)
    %add3A_107 = arith.constant 640 : i32
    %add3A_108 = arith.addi %mul3A_2, %add3A_107 : i32
    "tpu.region"() ({
      %run_scoped3A = tpu.sem_alloc : memref<!tpu.dma_semaphore, #tpu.memory_space<semaphore_mem>>
      %dma_start3A_422 = arith.constant 0 : i32
      %dma_start3A_423 = tpu.memref_slice %arg4[%add3A_108, %dma_start3A_422] : memref<106496x64xf32, #tpu.memory_space<hbm>> -> memref<128x64xf32, #tpu.memory_space<hbm>>
      %dma_start3A_424 = arith.constant 0 : i32
      %dma_start3A_425 = tpu.memref_slice %arg4[%add3A_108, %dma_start3A_424] : memref<106496x64xf32, #tpu.memory_space<hbm>> -> memref<128x64xf32, #tpu.memory_space<hbm>>
      tpu.enqueue_dma source(%arg7 : memref<128x64xf32, #tpu.memory_space<vmem>>) target(%dma_start3A_425 : memref<128x64xf32, #tpu.memory_space<hbm>>) target_semaphore(%run_scoped3A : memref<!tpu.dma_semaphore, #tpu.memory_space<semaphore_mem>>)
      %dma_wait3A_426 = arith.constant 0 : i32
      %dma_wait3A_427 = tpu.memref_slice %arg4[%add3A_108, %dma_wait3A_426] : memref<106496x64xf32, #tpu.memory_space<hbm>> -> memref<128x64xf32, #tpu.memory_space<hbm>>
      %dma_wait3A_428 = arith.constant 0 : i32
      %dma_wait3A_429 = tpu.memref_slice %arg4[%add3A_108, %dma_wait3A_428] : memref<106496x64xf32, #tpu.memory_space<hbm>> -> memref<128x64xf32, #tpu.memory_space<hbm>>
      tpu.wait_dma2 semaphore(%run_scoped3A : memref<!tpu.dma_semaphore, #tpu.memory_space<semaphore_mem>>) src(%arg7 : memref<128x64xf32, #tpu.memory_space<vmem>>) dst(%dma_wait3A_429 : memref<128x64xf32, #tpu.memory_space<hbm>>)
      tpu.yield
    }) : () -> ()
    %dma_start3A_109 = arith.constant 7 : i32
    %dma_start3A_110 = arith.constant 0 : i32
    %dma_start3A_111 = tpu.memref_slice %arg5[%dma_start3A_109, %dma_start3A_110] : memref<26x128xi32, #tpu.memory_space<vmem>> -> memref<1x128xi32, #tpu.memory_space<vmem>>
    %dma_start3A_112 = tpu.memref_squeeze %dma_start3A_111 : memref<1x128xi32, #tpu.memory_space<vmem>> -> memref<128xi32, #tpu.memory_space<vmem>>
    %dma_start3A_113 = arith.constant 0 : i32
    %dma_start3A_114 = arith.constant 0 : i32
    %dma_start3A_115 = tpu.memref_slice %arg2[%dma_start3A_113, %dma_start3A_114] : memref<2600026x64xf32, #tpu.memory_space<hbm>> -> memref<2600026x64xf32, #tpu.memory_space<hbm>>
    tpu.enqueue_indirect_dma source(%dma_start3A_115 : memref<2600026x64xf32, #tpu.memory_space<hbm>>) target(%arg7 : memref<128x64xf32, #tpu.memory_space<vmem>>) offsets(%dma_start3A_112 : memref<128xi32, #tpu.memory_space<vmem>>) semaphore(%arg9 : memref<!tpu.dma_semaphore, #tpu.memory_space<semaphore_mem>>)
    %dma_wait3A_116 = arith.constant 6 : i32
    %dma_wait3A_117 = arith.constant 0 : i32
    %dma_wait3A_118 = tpu.memref_slice %arg5[%dma_wait3A_116, %dma_wait3A_117] : memref<26x128xi32, #tpu.memory_space<vmem>> -> memref<1x128xi32, #tpu.memory_space<vmem>>
    %dma_wait3A_119 = tpu.memref_squeeze %dma_wait3A_118 : memref<1x128xi32, #tpu.memory_space<vmem>> -> memref<128xi32, #tpu.memory_space<vmem>>
    %dma_wait3A_120 = arith.constant 0 : i32
    %dma_wait3A_121 = arith.constant 0 : i32
    %dma_wait3A_122 = tpu.memref_slice %arg2[%dma_wait3A_120, %dma_wait3A_121] : memref<2600026x64xf32, #tpu.memory_space<hbm>> -> memref<2600026x64xf32, #tpu.memory_space<hbm>>
    tpu.wait_indirect_dma semaphore(%arg8 : memref<!tpu.dma_semaphore, #tpu.memory_space<semaphore_mem>>) src(%dma_wait3A_122 : memref<2600026x64xf32, #tpu.memory_space<hbm>>) dst(%arg6 : memref<128x64xf32, #tpu.memory_space<vmem>>)
    %add3A_123 = arith.constant 768 : i32
    %add3A_124 = arith.addi %mul3A_2, %add3A_123 : i32
    "tpu.region"() ({
      %run_scoped3A = tpu.sem_alloc : memref<!tpu.dma_semaphore, #tpu.memory_space<semaphore_mem>>
      %dma_start3A_422 = arith.constant 0 : i32
      %dma_start3A_423 = tpu.memref_slice %arg4[%add3A_124, %dma_start3A_422] : memref<106496x64xf32, #tpu.memory_space<hbm>> -> memref<128x64xf32, #tpu.memory_space<hbm>>
      %dma_start3A_424 = arith.constant 0 : i32
      %dma_start3A_425 = tpu.memref_slice %arg4[%add3A_124, %dma_start3A_424] : memref<106496x64xf32, #tpu.memory_space<hbm>> -> memref<128x64xf32, #tpu.memory_space<hbm>>
      tpu.enqueue_dma source(%arg6 : memref<128x64xf32, #tpu.memory_space<vmem>>) target(%dma_start3A_425 : memref<128x64xf32, #tpu.memory_space<hbm>>) target_semaphore(%run_scoped3A : memref<!tpu.dma_semaphore, #tpu.memory_space<semaphore_mem>>)
      %dma_wait3A_426 = arith.constant 0 : i32
      %dma_wait3A_427 = tpu.memref_slice %arg4[%add3A_124, %dma_wait3A_426] : memref<106496x64xf32, #tpu.memory_space<hbm>> -> memref<128x64xf32, #tpu.memory_space<hbm>>
      %dma_wait3A_428 = arith.constant 0 : i32
      %dma_wait3A_429 = tpu.memref_slice %arg4[%add3A_124, %dma_wait3A_428] : memref<106496x64xf32, #tpu.memory_space<hbm>> -> memref<128x64xf32, #tpu.memory_space<hbm>>
      tpu.wait_dma2 semaphore(%run_scoped3A : memref<!tpu.dma_semaphore, #tpu.memory_space<semaphore_mem>>) src(%arg6 : memref<128x64xf32, #tpu.memory_space<vmem>>) dst(%dma_wait3A_429 : memref<128x64xf32, #tpu.memory_space<hbm>>)
      tpu.yield
    }) : () -> ()
    %dma_start3A_125 = arith.constant 8 : i32
    %dma_start3A_126 = arith.constant 0 : i32
    %dma_start3A_127 = tpu.memref_slice %arg5[%dma_start3A_125, %dma_start3A_126] : memref<26x128xi32, #tpu.memory_space<vmem>> -> memref<1x128xi32, #tpu.memory_space<vmem>>
    %dma_start3A_128 = tpu.memref_squeeze %dma_start3A_127 : memref<1x128xi32, #tpu.memory_space<vmem>> -> memref<128xi32, #tpu.memory_space<vmem>>
    %dma_start3A_129 = arith.constant 0 : i32
    %dma_start3A_130 = arith.constant 0 : i32
    %dma_start3A_131 = tpu.memref_slice %arg2[%dma_start3A_129, %dma_start3A_130] : memref<2600026x64xf32, #tpu.memory_space<hbm>> -> memref<2600026x64xf32, #tpu.memory_space<hbm>>
    tpu.enqueue_indirect_dma source(%dma_start3A_131 : memref<2600026x64xf32, #tpu.memory_space<hbm>>) target(%arg6 : memref<128x64xf32, #tpu.memory_space<vmem>>) offsets(%dma_start3A_128 : memref<128xi32, #tpu.memory_space<vmem>>) semaphore(%arg8 : memref<!tpu.dma_semaphore, #tpu.memory_space<semaphore_mem>>)
    %dma_wait3A_132 = arith.constant 7 : i32
    %dma_wait3A_133 = arith.constant 0 : i32
    %dma_wait3A_134 = tpu.memref_slice %arg5[%dma_wait3A_132, %dma_wait3A_133] : memref<26x128xi32, #tpu.memory_space<vmem>> -> memref<1x128xi32, #tpu.memory_space<vmem>>
    %dma_wait3A_135 = tpu.memref_squeeze %dma_wait3A_134 : memref<1x128xi32, #tpu.memory_space<vmem>> -> memref<128xi32, #tpu.memory_space<vmem>>
    %dma_wait3A_136 = arith.constant 0 : i32
    %dma_wait3A_137 = arith.constant 0 : i32
    %dma_wait3A_138 = tpu.memref_slice %arg2[%dma_wait3A_136, %dma_wait3A_137] : memref<2600026x64xf32, #tpu.memory_space<hbm>> -> memref<2600026x64xf32, #tpu.memory_space<hbm>>
    tpu.wait_indirect_dma semaphore(%arg9 : memref<!tpu.dma_semaphore, #tpu.memory_space<semaphore_mem>>) src(%dma_wait3A_138 : memref<2600026x64xf32, #tpu.memory_space<hbm>>) dst(%arg7 : memref<128x64xf32, #tpu.memory_space<vmem>>)
    %add3A_139 = arith.constant 896 : i32
    %add3A_140 = arith.addi %mul3A_2, %add3A_139 : i32
    "tpu.region"() ({
      %run_scoped3A = tpu.sem_alloc : memref<!tpu.dma_semaphore, #tpu.memory_space<semaphore_mem>>
      %dma_start3A_422 = arith.constant 0 : i32
      %dma_start3A_423 = tpu.memref_slice %arg4[%add3A_140, %dma_start3A_422] : memref<106496x64xf32, #tpu.memory_space<hbm>> -> memref<128x64xf32, #tpu.memory_space<hbm>>
      %dma_start3A_424 = arith.constant 0 : i32
      %dma_start3A_425 = tpu.memref_slice %arg4[%add3A_140, %dma_start3A_424] : memref<106496x64xf32, #tpu.memory_space<hbm>> -> memref<128x64xf32, #tpu.memory_space<hbm>>
      tpu.enqueue_dma source(%arg7 : memref<128x64xf32, #tpu.memory_space<vmem>>) target(%dma_start3A_425 : memref<128x64xf32, #tpu.memory_space<hbm>>) target_semaphore(%run_scoped3A : memref<!tpu.dma_semaphore, #tpu.memory_space<semaphore_mem>>)
      %dma_wait3A_426 = arith.constant 0 : i32
      %dma_wait3A_427 = tpu.memref_slice %arg4[%add3A_140, %dma_wait3A_426] : memref<106496x64xf32, #tpu.memory_space<hbm>> -> memref<128x64xf32, #tpu.memory_space<hbm>>
      %dma_wait3A_428 = arith.constant 0 : i32
      %dma_wait3A_429 = tpu.memref_slice %arg4[%add3A_140, %dma_wait3A_428] : memref<106496x64xf32, #tpu.memory_space<hbm>> -> memref<128x64xf32, #tpu.memory_space<hbm>>
      tpu.wait_dma2 semaphore(%run_scoped3A : memref<!tpu.dma_semaphore, #tpu.memory_space<semaphore_mem>>) src(%arg7 : memref<128x64xf32, #tpu.memory_space<vmem>>) dst(%dma_wait3A_429 : memref<128x64xf32, #tpu.memory_space<hbm>>)
      tpu.yield
    }) : () -> ()
    %dma_start3A_141 = arith.constant 9 : i32
    %dma_start3A_142 = arith.constant 0 : i32
    %dma_start3A_143 = tpu.memref_slice %arg5[%dma_start3A_141, %dma_start3A_142] : memref<26x128xi32, #tpu.memory_space<vmem>> -> memref<1x128xi32, #tpu.memory_space<vmem>>
    %dma_start3A_144 = tpu.memref_squeeze %dma_start3A_143 : memref<1x128xi32, #tpu.memory_space<vmem>> -> memref<128xi32, #tpu.memory_space<vmem>>
    %dma_start3A_145 = arith.constant 0 : i32
    %dma_start3A_146 = arith.constant 0 : i32
    %dma_start3A_147 = tpu.memref_slice %arg2[%dma_start3A_145, %dma_start3A_146] : memref<2600026x64xf32, #tpu.memory_space<hbm>> -> memref<2600026x64xf32, #tpu.memory_space<hbm>>
    tpu.enqueue_indirect_dma source(%dma_start3A_147 : memref<2600026x64xf32, #tpu.memory_space<hbm>>) target(%arg7 : memref<128x64xf32, #tpu.memory_space<vmem>>) offsets(%dma_start3A_144 : memref<128xi32, #tpu.memory_space<vmem>>) semaphore(%arg9 : memref<!tpu.dma_semaphore, #tpu.memory_space<semaphore_mem>>)
    %dma_wait3A_148 = arith.constant 8 : i32
    %dma_wait3A_149 = arith.constant 0 : i32
    %dma_wait3A_150 = tpu.memref_slice %arg5[%dma_wait3A_148, %dma_wait3A_149] : memref<26x128xi32, #tpu.memory_space<vmem>> -> memref<1x128xi32, #tpu.memory_space<vmem>>
    %dma_wait3A_151 = tpu.memref_squeeze %dma_wait3A_150 : memref<1x128xi32, #tpu.memory_space<vmem>> -> memref<128xi32, #tpu.memory_space<vmem>>
    %dma_wait3A_152 = arith.constant 0 : i32
    %dma_wait3A_153 = arith.constant 0 : i32
    %dma_wait3A_154 = tpu.memref_slice %arg2[%dma_wait3A_152, %dma_wait3A_153] : memref<2600026x64xf32, #tpu.memory_space<hbm>> -> memref<2600026x64xf32, #tpu.memory_space<hbm>>
    tpu.wait_indirect_dma semaphore(%arg8 : memref<!tpu.dma_semaphore, #tpu.memory_space<semaphore_mem>>) src(%dma_wait3A_154 : memref<2600026x64xf32, #tpu.memory_space<hbm>>) dst(%arg6 : memref<128x64xf32, #tpu.memory_space<vmem>>)
    %add3A_155 = arith.constant 1024 : i32
    %add3A_156 = arith.addi %mul3A_2, %add3A_155 : i32
    "tpu.region"() ({
      %run_scoped3A = tpu.sem_alloc : memref<!tpu.dma_semaphore, #tpu.memory_space<semaphore_mem>>
      %dma_start3A_422 = arith.constant 0 : i32
      %dma_start3A_423 = tpu.memref_slice %arg4[%add3A_156, %dma_start3A_422] : memref<106496x64xf32, #tpu.memory_space<hbm>> -> memref<128x64xf32, #tpu.memory_space<hbm>>
      %dma_start3A_424 = arith.constant 0 : i32
      %dma_start3A_425 = tpu.memref_slice %arg4[%add3A_156, %dma_start3A_424] : memref<106496x64xf32, #tpu.memory_space<hbm>> -> memref<128x64xf32, #tpu.memory_space<hbm>>
      tpu.enqueue_dma source(%arg6 : memref<128x64xf32, #tpu.memory_space<vmem>>) target(%dma_start3A_425 : memref<128x64xf32, #tpu.memory_space<hbm>>) target_semaphore(%run_scoped3A : memref<!tpu.dma_semaphore, #tpu.memory_space<semaphore_mem>>)
      %dma_wait3A_426 = arith.constant 0 : i32
      %dma_wait3A_427 = tpu.memref_slice %arg4[%add3A_156, %dma_wait3A_426] : memref<106496x64xf32, #tpu.memory_space<hbm>> -> memref<128x64xf32, #tpu.memory_space<hbm>>
      %dma_wait3A_428 = arith.constant 0 : i32
      %dma_wait3A_429 = tpu.memref_slice %arg4[%add3A_156, %dma_wait3A_428] : memref<106496x64xf32, #tpu.memory_space<hbm>> -> memref<128x64xf32, #tpu.memory_space<hbm>>
      tpu.wait_dma2 semaphore(%run_scoped3A : memref<!tpu.dma_semaphore, #tpu.memory_space<semaphore_mem>>) src(%arg6 : memref<128x64xf32, #tpu.memory_space<vmem>>) dst(%dma_wait3A_429 : memref<128x64xf32, #tpu.memory_space<hbm>>)
      tpu.yield
    }) : () -> ()
    %dma_start3A_157 = arith.constant 10 : i32
    %dma_start3A_158 = arith.constant 0 : i32
    %dma_start3A_159 = tpu.memref_slice %arg5[%dma_start3A_157, %dma_start3A_158] : memref<26x128xi32, #tpu.memory_space<vmem>> -> memref<1x128xi32, #tpu.memory_space<vmem>>
    %dma_start3A_160 = tpu.memref_squeeze %dma_start3A_159 : memref<1x128xi32, #tpu.memory_space<vmem>> -> memref<128xi32, #tpu.memory_space<vmem>>
    %dma_start3A_161 = arith.constant 0 : i32
    %dma_start3A_162 = arith.constant 0 : i32
    %dma_start3A_163 = tpu.memref_slice %arg2[%dma_start3A_161, %dma_start3A_162] : memref<2600026x64xf32, #tpu.memory_space<hbm>> -> memref<2600026x64xf32, #tpu.memory_space<hbm>>
    tpu.enqueue_indirect_dma source(%dma_start3A_163 : memref<2600026x64xf32, #tpu.memory_space<hbm>>) target(%arg6 : memref<128x64xf32, #tpu.memory_space<vmem>>) offsets(%dma_start3A_160 : memref<128xi32, #tpu.memory_space<vmem>>) semaphore(%arg8 : memref<!tpu.dma_semaphore, #tpu.memory_space<semaphore_mem>>)
    %dma_wait3A_164 = arith.constant 9 : i32
    %dma_wait3A_165 = arith.constant 0 : i32
    %dma_wait3A_166 = tpu.memref_slice %arg5[%dma_wait3A_164, %dma_wait3A_165] : memref<26x128xi32, #tpu.memory_space<vmem>> -> memref<1x128xi32, #tpu.memory_space<vmem>>
    %dma_wait3A_167 = tpu.memref_squeeze %dma_wait3A_166 : memref<1x128xi32, #tpu.memory_space<vmem>> -> memref<128xi32, #tpu.memory_space<vmem>>
    %dma_wait3A_168 = arith.constant 0 : i32
    %dma_wait3A_169 = arith.constant 0 : i32
    %dma_wait3A_170 = tpu.memref_slice %arg2[%dma_wait3A_168, %dma_wait3A_169] : memref<2600026x64xf32, #tpu.memory_space<hbm>> -> memref<2600026x64xf32, #tpu.memory_space<hbm>>
    tpu.wait_indirect_dma semaphore(%arg9 : memref<!tpu.dma_semaphore, #tpu.memory_space<semaphore_mem>>) src(%dma_wait3A_170 : memref<2600026x64xf32, #tpu.memory_space<hbm>>) dst(%arg7 : memref<128x64xf32, #tpu.memory_space<vmem>>)
    %add3A_171 = arith.constant 1152 : i32
    %add3A_172 = arith.addi %mul3A_2, %add3A_171 : i32
    "tpu.region"() ({
      %run_scoped3A = tpu.sem_alloc : memref<!tpu.dma_semaphore, #tpu.memory_space<semaphore_mem>>
      %dma_start3A_422 = arith.constant 0 : i32
      %dma_start3A_423 = tpu.memref_slice %arg4[%add3A_172, %dma_start3A_422] : memref<106496x64xf32, #tpu.memory_space<hbm>> -> memref<128x64xf32, #tpu.memory_space<hbm>>
      %dma_start3A_424 = arith.constant 0 : i32
      %dma_start3A_425 = tpu.memref_slice %arg4[%add3A_172, %dma_start3A_424] : memref<106496x64xf32, #tpu.memory_space<hbm>> -> memref<128x64xf32, #tpu.memory_space<hbm>>
      tpu.enqueue_dma source(%arg7 : memref<128x64xf32, #tpu.memory_space<vmem>>) target(%dma_start3A_425 : memref<128x64xf32, #tpu.memory_space<hbm>>) target_semaphore(%run_scoped3A : memref<!tpu.dma_semaphore, #tpu.memory_space<semaphore_mem>>)
      %dma_wait3A_426 = arith.constant 0 : i32
      %dma_wait3A_427 = tpu.memref_slice %arg4[%add3A_172, %dma_wait3A_426] : memref<106496x64xf32, #tpu.memory_space<hbm>> -> memref<128x64xf32, #tpu.memory_space<hbm>>
      %dma_wait3A_428 = arith.constant 0 : i32
      %dma_wait3A_429 = tpu.memref_slice %arg4[%add3A_172, %dma_wait3A_428] : memref<106496x64xf32, #tpu.memory_space<hbm>> -> memref<128x64xf32, #tpu.memory_space<hbm>>
      tpu.wait_dma2 semaphore(%run_scoped3A : memref<!tpu.dma_semaphore, #tpu.memory_space<semaphore_mem>>) src(%arg7 : memref<128x64xf32, #tpu.memory_space<vmem>>) dst(%dma_wait3A_429 : memref<128x64xf32, #tpu.memory_space<hbm>>)
      tpu.yield
    }) : () -> ()
    %dma_start3A_173 = arith.constant 11 : i32
    %dma_start3A_174 = arith.constant 0 : i32
    %dma_start3A_175 = tpu.memref_slice %arg5[%dma_start3A_173, %dma_start3A_174] : memref<26x128xi32, #tpu.memory_space<vmem>> -> memref<1x128xi32, #tpu.memory_space<vmem>>
    %dma_start3A_176 = tpu.memref_squeeze %dma_start3A_175 : memref<1x128xi32, #tpu.memory_space<vmem>> -> memref<128xi32, #tpu.memory_space<vmem>>
    %dma_start3A_177 = arith.constant 0 : i32
    %dma_start3A_178 = arith.constant 0 : i32
    %dma_start3A_179 = tpu.memref_slice %arg2[%dma_start3A_177, %dma_start3A_178] : memref<2600026x64xf32, #tpu.memory_space<hbm>> -> memref<2600026x64xf32, #tpu.memory_space<hbm>>
    tpu.enqueue_indirect_dma source(%dma_start3A_179 : memref<2600026x64xf32, #tpu.memory_space<hbm>>) target(%arg7 : memref<128x64xf32, #tpu.memory_space<vmem>>) offsets(%dma_start3A_176 : memref<128xi32, #tpu.memory_space<vmem>>) semaphore(%arg9 : memref<!tpu.dma_semaphore, #tpu.memory_space<semaphore_mem>>)
    %dma_wait3A_180 = arith.constant 10 : i32
    %dma_wait3A_181 = arith.constant 0 : i32
    %dma_wait3A_182 = tpu.memref_slice %arg5[%dma_wait3A_180, %dma_wait3A_181] : memref<26x128xi32, #tpu.memory_space<vmem>> -> memref<1x128xi32, #tpu.memory_space<vmem>>
    %dma_wait3A_183 = tpu.memref_squeeze %dma_wait3A_182 : memref<1x128xi32, #tpu.memory_space<vmem>> -> memref<128xi32, #tpu.memory_space<vmem>>
    %dma_wait3A_184 = arith.constant 0 : i32
    %dma_wait3A_185 = arith.constant 0 : i32
    %dma_wait3A_186 = tpu.memref_slice %arg2[%dma_wait3A_184, %dma_wait3A_185] : memref<2600026x64xf32, #tpu.memory_space<hbm>> -> memref<2600026x64xf32, #tpu.memory_space<hbm>>
    tpu.wait_indirect_dma semaphore(%arg8 : memref<!tpu.dma_semaphore, #tpu.memory_space<semaphore_mem>>) src(%dma_wait3A_186 : memref<2600026x64xf32, #tpu.memory_space<hbm>>) dst(%arg6 : memref<128x64xf32, #tpu.memory_space<vmem>>)
    %add3A_187 = arith.constant 1280 : i32
    %add3A_188 = arith.addi %mul3A_2, %add3A_187 : i32
    "tpu.region"() ({
      %run_scoped3A = tpu.sem_alloc : memref<!tpu.dma_semaphore, #tpu.memory_space<semaphore_mem>>
      %dma_start3A_422 = arith.constant 0 : i32
      %dma_start3A_423 = tpu.memref_slice %arg4[%add3A_188, %dma_start3A_422] : memref<106496x64xf32, #tpu.memory_space<hbm>> -> memref<128x64xf32, #tpu.memory_space<hbm>>
      %dma_start3A_424 = arith.constant 0 : i32
      %dma_start3A_425 = tpu.memref_slice %arg4[%add3A_188, %dma_start3A_424] : memref<106496x64xf32, #tpu.memory_space<hbm>> -> memref<128x64xf32, #tpu.memory_space<hbm>>
      tpu.enqueue_dma source(%arg6 : memref<128x64xf32, #tpu.memory_space<vmem>>) target(%dma_start3A_425 : memref<128x64xf32, #tpu.memory_space<hbm>>) target_semaphore(%run_scoped3A : memref<!tpu.dma_semaphore, #tpu.memory_space<semaphore_mem>>)
      %dma_wait3A_426 = arith.constant 0 : i32
      %dma_wait3A_427 = tpu.memref_slice %arg4[%add3A_188, %dma_wait3A_426] : memref<106496x64xf32, #tpu.memory_space<hbm>> -> memref<128x64xf32, #tpu.memory_space<hbm>>
      %dma_wait3A_428 = arith.constant 0 : i32
      %dma_wait3A_429 = tpu.memref_slice %arg4[%add3A_188, %dma_wait3A_428] : memref<106496x64xf32, #tpu.memory_space<hbm>> -> memref<128x64xf32, #tpu.memory_space<hbm>>
      tpu.wait_dma2 semaphore(%run_scoped3A : memref<!tpu.dma_semaphore, #tpu.memory_space<semaphore_mem>>) src(%arg6 : memref<128x64xf32, #tpu.memory_space<vmem>>) dst(%dma_wait3A_429 : memref<128x64xf32, #tpu.memory_space<hbm>>)
      tpu.yield
    }) : () -> ()
    %dma_start3A_189 = arith.constant 12 : i32
    %dma_start3A_190 = arith.constant 0 : i32
    %dma_start3A_191 = tpu.memref_slice %arg5[%dma_start3A_189, %dma_start3A_190] : memref<26x128xi32, #tpu.memory_space<vmem>> -> memref<1x128xi32, #tpu.memory_space<vmem>>
    %dma_start3A_192 = tpu.memref_squeeze %dma_start3A_191 : memref<1x128xi32, #tpu.memory_space<vmem>> -> memref<128xi32, #tpu.memory_space<vmem>>
    %dma_start3A_193 = arith.constant 0 : i32
    %dma_start3A_194 = arith.constant 0 : i32
    %dma_start3A_195 = tpu.memref_slice %arg2[%dma_start3A_193, %dma_start3A_194] : memref<2600026x64xf32, #tpu.memory_space<hbm>> -> memref<2600026x64xf32, #tpu.memory_space<hbm>>
    tpu.enqueue_indirect_dma source(%dma_start3A_195 : memref<2600026x64xf32, #tpu.memory_space<hbm>>) target(%arg6 : memref<128x64xf32, #tpu.memory_space<vmem>>) offsets(%dma_start3A_192 : memref<128xi32, #tpu.memory_space<vmem>>) semaphore(%arg8 : memref<!tpu.dma_semaphore, #tpu.memory_space<semaphore_mem>>)
    %dma_wait3A_196 = arith.constant 11 : i32
    %dma_wait3A_197 = arith.constant 0 : i32
    %dma_wait3A_198 = tpu.memref_slice %arg5[%dma_wait3A_196, %dma_wait3A_197] : memref<26x128xi32, #tpu.memory_space<vmem>> -> memref<1x128xi32, #tpu.memory_space<vmem>>
    %dma_wait3A_199 = tpu.memref_squeeze %dma_wait3A_198 : memref<1x128xi32, #tpu.memory_space<vmem>> -> memref<128xi32, #tpu.memory_space<vmem>>
    %dma_wait3A_200 = arith.constant 0 : i32
    %dma_wait3A_201 = arith.constant 0 : i32
    %dma_wait3A_202 = tpu.memref_slice %arg2[%dma_wait3A_200, %dma_wait3A_201] : memref<2600026x64xf32, #tpu.memory_space<hbm>> -> memref<2600026x64xf32, #tpu.memory_space<hbm>>
    tpu.wait_indirect_dma semaphore(%arg9 : memref<!tpu.dma_semaphore, #tpu.memory_space<semaphore_mem>>) src(%dma_wait3A_202 : memref<2600026x64xf32, #tpu.memory_space<hbm>>) dst(%arg7 : memref<128x64xf32, #tpu.memory_space<vmem>>)
    %add3A_203 = arith.constant 1408 : i32
    %add3A_204 = arith.addi %mul3A_2, %add3A_203 : i32
    "tpu.region"() ({
      %run_scoped3A = tpu.sem_alloc : memref<!tpu.dma_semaphore, #tpu.memory_space<semaphore_mem>>
      %dma_start3A_422 = arith.constant 0 : i32
      %dma_start3A_423 = tpu.memref_slice %arg4[%add3A_204, %dma_start3A_422] : memref<106496x64xf32, #tpu.memory_space<hbm>> -> memref<128x64xf32, #tpu.memory_space<hbm>>
      %dma_start3A_424 = arith.constant 0 : i32
      %dma_start3A_425 = tpu.memref_slice %arg4[%add3A_204, %dma_start3A_424] : memref<106496x64xf32, #tpu.memory_space<hbm>> -> memref<128x64xf32, #tpu.memory_space<hbm>>
      tpu.enqueue_dma source(%arg7 : memref<128x64xf32, #tpu.memory_space<vmem>>) target(%dma_start3A_425 : memref<128x64xf32, #tpu.memory_space<hbm>>) target_semaphore(%run_scoped3A : memref<!tpu.dma_semaphore, #tpu.memory_space<semaphore_mem>>)
      %dma_wait3A_426 = arith.constant 0 : i32
      %dma_wait3A_427 = tpu.memref_slice %arg4[%add3A_204, %dma_wait3A_426] : memref<106496x64xf32, #tpu.memory_space<hbm>> -> memref<128x64xf32, #tpu.memory_space<hbm>>
      %dma_wait3A_428 = arith.constant 0 : i32
      %dma_wait3A_429 = tpu.memref_slice %arg4[%add3A_204, %dma_wait3A_428] : memref<106496x64xf32, #tpu.memory_space<hbm>> -> memref<128x64xf32, #tpu.memory_space<hbm>>
      tpu.wait_dma2 semaphore(%run_scoped3A : memref<!tpu.dma_semaphore, #tpu.memory_space<semaphore_mem>>) src(%arg7 : memref<128x64xf32, #tpu.memory_space<vmem>>) dst(%dma_wait3A_429 : memref<128x64xf32, #tpu.memory_space<hbm>>)
      tpu.yield
    }) : () -> ()
    %dma_start3A_205 = arith.constant 13 : i32
    %dma_start3A_206 = arith.constant 0 : i32
    %dma_start3A_207 = tpu.memref_slice %arg5[%dma_start3A_205, %dma_start3A_206] : memref<26x128xi32, #tpu.memory_space<vmem>> -> memref<1x128xi32, #tpu.memory_space<vmem>>
    %dma_start3A_208 = tpu.memref_squeeze %dma_start3A_207 : memref<1x128xi32, #tpu.memory_space<vmem>> -> memref<128xi32, #tpu.memory_space<vmem>>
    %dma_start3A_209 = arith.constant 0 : i32
    %dma_start3A_210 = arith.constant 0 : i32
    %dma_start3A_211 = tpu.memref_slice %arg2[%dma_start3A_209, %dma_start3A_210] : memref<2600026x64xf32, #tpu.memory_space<hbm>> -> memref<2600026x64xf32, #tpu.memory_space<hbm>>
    tpu.enqueue_indirect_dma source(%dma_start3A_211 : memref<2600026x64xf32, #tpu.memory_space<hbm>>) target(%arg7 : memref<128x64xf32, #tpu.memory_space<vmem>>) offsets(%dma_start3A_208 : memref<128xi32, #tpu.memory_space<vmem>>) semaphore(%arg9 : memref<!tpu.dma_semaphore, #tpu.memory_space<semaphore_mem>>)
    %dma_wait3A_212 = arith.constant 12 : i32
    %dma_wait3A_213 = arith.constant 0 : i32
    %dma_wait3A_214 = tpu.memref_slice %arg5[%dma_wait3A_212, %dma_wait3A_213] : memref<26x128xi32, #tpu.memory_space<vmem>> -> memref<1x128xi32, #tpu.memory_space<vmem>>
    %dma_wait3A_215 = tpu.memref_squeeze %dma_wait3A_214 : memref<1x128xi32, #tpu.memory_space<vmem>> -> memref<128xi32, #tpu.memory_space<vmem>>
    %dma_wait3A_216 = arith.constant 0 : i32
    %dma_wait3A_217 = arith.constant 0 : i32
    %dma_wait3A_218 = tpu.memref_slice %arg2[%dma_wait3A_216, %dma_wait3A_217] : memref<2600026x64xf32, #tpu.memory_space<hbm>> -> memref<2600026x64xf32, #tpu.memory_space<hbm>>
    tpu.wait_indirect_dma semaphore(%arg8 : memref<!tpu.dma_semaphore, #tpu.memory_space<semaphore_mem>>) src(%dma_wait3A_218 : memref<2600026x64xf32, #tpu.memory_space<hbm>>) dst(%arg6 : memref<128x64xf32, #tpu.memory_space<vmem>>)
    %add3A_219 = arith.constant 1536 : i32
    %add3A_220 = arith.addi %mul3A_2, %add3A_219 : i32
    "tpu.region"() ({
      %run_scoped3A = tpu.sem_alloc : memref<!tpu.dma_semaphore, #tpu.memory_space<semaphore_mem>>
      %dma_start3A_422 = arith.constant 0 : i32
      %dma_start3A_423 = tpu.memref_slice %arg4[%add3A_220, %dma_start3A_422] : memref<106496x64xf32, #tpu.memory_space<hbm>> -> memref<128x64xf32, #tpu.memory_space<hbm>>
      %dma_start3A_424 = arith.constant 0 : i32
      %dma_start3A_425 = tpu.memref_slice %arg4[%add3A_220, %dma_start3A_424] : memref<106496x64xf32, #tpu.memory_space<hbm>> -> memref<128x64xf32, #tpu.memory_space<hbm>>
      tpu.enqueue_dma source(%arg6 : memref<128x64xf32, #tpu.memory_space<vmem>>) target(%dma_start3A_425 : memref<128x64xf32, #tpu.memory_space<hbm>>) target_semaphore(%run_scoped3A : memref<!tpu.dma_semaphore, #tpu.memory_space<semaphore_mem>>)
      %dma_wait3A_426 = arith.constant 0 : i32
      %dma_wait3A_427 = tpu.memref_slice %arg4[%add3A_220, %dma_wait3A_426] : memref<106496x64xf32, #tpu.memory_space<hbm>> -> memref<128x64xf32, #tpu.memory_space<hbm>>
      %dma_wait3A_428 = arith.constant 0 : i32
      %dma_wait3A_429 = tpu.memref_slice %arg4[%add3A_220, %dma_wait3A_428] : memref<106496x64xf32, #tpu.memory_space<hbm>> -> memref<128x64xf32, #tpu.memory_space<hbm>>
      tpu.wait_dma2 semaphore(%run_scoped3A : memref<!tpu.dma_semaphore, #tpu.memory_space<semaphore_mem>>) src(%arg6 : memref<128x64xf32, #tpu.memory_space<vmem>>) dst(%dma_wait3A_429 : memref<128x64xf32, #tpu.memory_space<hbm>>)
      tpu.yield
    }) : () -> ()
    %dma_start3A_221 = arith.constant 14 : i32
    %dma_start3A_222 = arith.constant 0 : i32
    %dma_start3A_223 = tpu.memref_slice %arg5[%dma_start3A_221, %dma_start3A_222] : memref<26x128xi32, #tpu.memory_space<vmem>> -> memref<1x128xi32, #tpu.memory_space<vmem>>
    %dma_start3A_224 = tpu.memref_squeeze %dma_start3A_223 : memref<1x128xi32, #tpu.memory_space<vmem>> -> memref<128xi32, #tpu.memory_space<vmem>>
    %dma_start3A_225 = arith.constant 0 : i32
    %dma_start3A_226 = arith.constant 0 : i32
    %dma_start3A_227 = tpu.memref_slice %arg2[%dma_start3A_225, %dma_start3A_226] : memref<2600026x64xf32, #tpu.memory_space<hbm>> -> memref<2600026x64xf32, #tpu.memory_space<hbm>>
    tpu.enqueue_indirect_dma source(%dma_start3A_227 : memref<2600026x64xf32, #tpu.memory_space<hbm>>) target(%arg6 : memref<128x64xf32, #tpu.memory_space<vmem>>) offsets(%dma_start3A_224 : memref<128xi32, #tpu.memory_space<vmem>>) semaphore(%arg8 : memref<!tpu.dma_semaphore, #tpu.memory_space<semaphore_mem>>)
    %dma_wait3A_228 = arith.constant 13 : i32
    %dma_wait3A_229 = arith.constant 0 : i32
    %dma_wait3A_230 = tpu.memref_slice %arg5[%dma_wait3A_228, %dma_wait3A_229] : memref<26x128xi32, #tpu.memory_space<vmem>> -> memref<1x128xi32, #tpu.memory_space<vmem>>
    %dma_wait3A_231 = tpu.memref_squeeze %dma_wait3A_230 : memref<1x128xi32, #tpu.memory_space<vmem>> -> memref<128xi32, #tpu.memory_space<vmem>>
    %dma_wait3A_232 = arith.constant 0 : i32
    %dma_wait3A_233 = arith.constant 0 : i32
    %dma_wait3A_234 = tpu.memref_slice %arg2[%dma_wait3A_232, %dma_wait3A_233] : memref<2600026x64xf32, #tpu.memory_space<hbm>> -> memref<2600026x64xf32, #tpu.memory_space<hbm>>
    tpu.wait_indirect_dma semaphore(%arg9 : memref<!tpu.dma_semaphore, #tpu.memory_space<semaphore_mem>>) src(%dma_wait3A_234 : memref<2600026x64xf32, #tpu.memory_space<hbm>>) dst(%arg7 : memref<128x64xf32, #tpu.memory_space<vmem>>)
    %add3A_235 = arith.constant 1664 : i32
    %add3A_236 = arith.addi %mul3A_2, %add3A_235 : i32
    "tpu.region"() ({
      %run_scoped3A = tpu.sem_alloc : memref<!tpu.dma_semaphore, #tpu.memory_space<semaphore_mem>>
      %dma_start3A_422 = arith.constant 0 : i32
      %dma_start3A_423 = tpu.memref_slice %arg4[%add3A_236, %dma_start3A_422] : memref<106496x64xf32, #tpu.memory_space<hbm>> -> memref<128x64xf32, #tpu.memory_space<hbm>>
      %dma_start3A_424 = arith.constant 0 : i32
      %dma_start3A_425 = tpu.memref_slice %arg4[%add3A_236, %dma_start3A_424] : memref<106496x64xf32, #tpu.memory_space<hbm>> -> memref<128x64xf32, #tpu.memory_space<hbm>>
      tpu.enqueue_dma source(%arg7 : memref<128x64xf32, #tpu.memory_space<vmem>>) target(%dma_start3A_425 : memref<128x64xf32, #tpu.memory_space<hbm>>) target_semaphore(%run_scoped3A : memref<!tpu.dma_semaphore, #tpu.memory_space<semaphore_mem>>)
      %dma_wait3A_426 = arith.constant 0 : i32
      %dma_wait3A_427 = tpu.memref_slice %arg4[%add3A_236, %dma_wait3A_426] : memref<106496x64xf32, #tpu.memory_space<hbm>> -> memref<128x64xf32, #tpu.memory_space<hbm>>
      %dma_wait3A_428 = arith.constant 0 : i32
      %dma_wait3A_429 = tpu.memref_slice %arg4[%add3A_236, %dma_wait3A_428] : memref<106496x64xf32, #tpu.memory_space<hbm>> -> memref<128x64xf32, #tpu.memory_space<hbm>>
      tpu.wait_dma2 semaphore(%run_scoped3A : memref<!tpu.dma_semaphore, #tpu.memory_space<semaphore_mem>>) src(%arg7 : memref<128x64xf32, #tpu.memory_space<vmem>>) dst(%dma_wait3A_429 : memref<128x64xf32, #tpu.memory_space<hbm>>)
      tpu.yield
    }) : () -> ()
    %dma_start3A_237 = arith.constant 15 : i32
    %dma_start3A_238 = arith.constant 0 : i32
    %dma_start3A_239 = tpu.memref_slice %arg5[%dma_start3A_237, %dma_start3A_238] : memref<26x128xi32, #tpu.memory_space<vmem>> -> memref<1x128xi32, #tpu.memory_space<vmem>>
    %dma_start3A_240 = tpu.memref_squeeze %dma_start3A_239 : memref<1x128xi32, #tpu.memory_space<vmem>> -> memref<128xi32, #tpu.memory_space<vmem>>
    %dma_start3A_241 = arith.constant 0 : i32
    %dma_start3A_242 = arith.constant 0 : i32
    %dma_start3A_243 = tpu.memref_slice %arg2[%dma_start3A_241, %dma_start3A_242] : memref<2600026x64xf32, #tpu.memory_space<hbm>> -> memref<2600026x64xf32, #tpu.memory_space<hbm>>
    tpu.enqueue_indirect_dma source(%dma_start3A_243 : memref<2600026x64xf32, #tpu.memory_space<hbm>>) target(%arg7 : memref<128x64xf32, #tpu.memory_space<vmem>>) offsets(%dma_start3A_240 : memref<128xi32, #tpu.memory_space<vmem>>) semaphore(%arg9 : memref<!tpu.dma_semaphore, #tpu.memory_space<semaphore_mem>>)
    %dma_wait3A_244 = arith.constant 14 : i32
    %dma_wait3A_245 = arith.constant 0 : i32
    %dma_wait3A_246 = tpu.memref_slice %arg5[%dma_wait3A_244, %dma_wait3A_245] : memref<26x128xi32, #tpu.memory_space<vmem>> -> memref<1x128xi32, #tpu.memory_space<vmem>>
    %dma_wait3A_247 = tpu.memref_squeeze %dma_wait3A_246 : memref<1x128xi32, #tpu.memory_space<vmem>> -> memref<128xi32, #tpu.memory_space<vmem>>
    %dma_wait3A_248 = arith.constant 0 : i32
    %dma_wait3A_249 = arith.constant 0 : i32
    %dma_wait3A_250 = tpu.memref_slice %arg2[%dma_wait3A_248, %dma_wait3A_249] : memref<2600026x64xf32, #tpu.memory_space<hbm>> -> memref<2600026x64xf32, #tpu.memory_space<hbm>>
    tpu.wait_indirect_dma semaphore(%arg8 : memref<!tpu.dma_semaphore, #tpu.memory_space<semaphore_mem>>) src(%dma_wait3A_250 : memref<2600026x64xf32, #tpu.memory_space<hbm>>) dst(%arg6 : memref<128x64xf32, #tpu.memory_space<vmem>>)
    %add3A_251 = arith.constant 1792 : i32
    %add3A_252 = arith.addi %mul3A_2, %add3A_251 : i32
    "tpu.region"() ({
      %run_scoped3A = tpu.sem_alloc : memref<!tpu.dma_semaphore, #tpu.memory_space<semaphore_mem>>
      %dma_start3A_422 = arith.constant 0 : i32
      %dma_start3A_423 = tpu.memref_slice %arg4[%add3A_252, %dma_start3A_422] : memref<106496x64xf32, #tpu.memory_space<hbm>> -> memref<128x64xf32, #tpu.memory_space<hbm>>
      %dma_start3A_424 = arith.constant 0 : i32
      %dma_start3A_425 = tpu.memref_slice %arg4[%add3A_252, %dma_start3A_424] : memref<106496x64xf32, #tpu.memory_space<hbm>> -> memref<128x64xf32, #tpu.memory_space<hbm>>
      tpu.enqueue_dma source(%arg6 : memref<128x64xf32, #tpu.memory_space<vmem>>) target(%dma_start3A_425 : memref<128x64xf32, #tpu.memory_space<hbm>>) target_semaphore(%run_scoped3A : memref<!tpu.dma_semaphore, #tpu.memory_space<semaphore_mem>>)
      %dma_wait3A_426 = arith.constant 0 : i32
      %dma_wait3A_427 = tpu.memref_slice %arg4[%add3A_252, %dma_wait3A_426] : memref<106496x64xf32, #tpu.memory_space<hbm>> -> memref<128x64xf32, #tpu.memory_space<hbm>>
      %dma_wait3A_428 = arith.constant 0 : i32
      %dma_wait3A_429 = tpu.memref_slice %arg4[%add3A_252, %dma_wait3A_428] : memref<106496x64xf32, #tpu.memory_space<hbm>> -> memref<128x64xf32, #tpu.memory_space<hbm>>
      tpu.wait_dma2 semaphore(%run_scoped3A : memref<!tpu.dma_semaphore, #tpu.memory_space<semaphore_mem>>) src(%arg6 : memref<128x64xf32, #tpu.memory_space<vmem>>) dst(%dma_wait3A_429 : memref<128x64xf32, #tpu.memory_space<hbm>>)
      tpu.yield
    }) : () -> ()
    %dma_start3A_253 = arith.constant 16 : i32
    %dma_start3A_254 = arith.constant 0 : i32
    %dma_start3A_255 = tpu.memref_slice %arg5[%dma_start3A_253, %dma_start3A_254] : memref<26x128xi32, #tpu.memory_space<vmem>> -> memref<1x128xi32, #tpu.memory_space<vmem>>
    %dma_start3A_256 = tpu.memref_squeeze %dma_start3A_255 : memref<1x128xi32, #tpu.memory_space<vmem>> -> memref<128xi32, #tpu.memory_space<vmem>>
    %dma_start3A_257 = arith.constant 0 : i32
    %dma_start3A_258 = arith.constant 0 : i32
    %dma_start3A_259 = tpu.memref_slice %arg2[%dma_start3A_257, %dma_start3A_258] : memref<2600026x64xf32, #tpu.memory_space<hbm>> -> memref<2600026x64xf32, #tpu.memory_space<hbm>>
    tpu.enqueue_indirect_dma source(%dma_start3A_259 : memref<2600026x64xf32, #tpu.memory_space<hbm>>) target(%arg6 : memref<128x64xf32, #tpu.memory_space<vmem>>) offsets(%dma_start3A_256 : memref<128xi32, #tpu.memory_space<vmem>>) semaphore(%arg8 : memref<!tpu.dma_semaphore, #tpu.memory_space<semaphore_mem>>)
    %dma_wait3A_260 = arith.constant 15 : i32
    %dma_wait3A_261 = arith.constant 0 : i32
    %dma_wait3A_262 = tpu.memref_slice %arg5[%dma_wait3A_260, %dma_wait3A_261] : memref<26x128xi32, #tpu.memory_space<vmem>> -> memref<1x128xi32, #tpu.memory_space<vmem>>
    %dma_wait3A_263 = tpu.memref_squeeze %dma_wait3A_262 : memref<1x128xi32, #tpu.memory_space<vmem>> -> memref<128xi32, #tpu.memory_space<vmem>>
    %dma_wait3A_264 = arith.constant 0 : i32
    %dma_wait3A_265 = arith.constant 0 : i32
    %dma_wait3A_266 = tpu.memref_slice %arg2[%dma_wait3A_264, %dma_wait3A_265] : memref<2600026x64xf32, #tpu.memory_space<hbm>> -> memref<2600026x64xf32, #tpu.memory_space<hbm>>
    tpu.wait_indirect_dma semaphore(%arg9 : memref<!tpu.dma_semaphore, #tpu.memory_space<semaphore_mem>>) src(%dma_wait3A_266 : memref<2600026x64xf32, #tpu.memory_space<hbm>>) dst(%arg7 : memref<128x64xf32, #tpu.memory_space<vmem>>)
    %add3A_267 = arith.constant 1920 : i32
    %add3A_268 = arith.addi %mul3A_2, %add3A_267 : i32
    "tpu.region"() ({
      %run_scoped3A = tpu.sem_alloc : memref<!tpu.dma_semaphore, #tpu.memory_space<semaphore_mem>>
      %dma_start3A_422 = arith.constant 0 : i32
      %dma_start3A_423 = tpu.memref_slice %arg4[%add3A_268, %dma_start3A_422] : memref<106496x64xf32, #tpu.memory_space<hbm>> -> memref<128x64xf32, #tpu.memory_space<hbm>>
      %dma_start3A_424 = arith.constant 0 : i32
      %dma_start3A_425 = tpu.memref_slice %arg4[%add3A_268, %dma_start3A_424] : memref<106496x64xf32, #tpu.memory_space<hbm>> -> memref<128x64xf32, #tpu.memory_space<hbm>>
      tpu.enqueue_dma source(%arg7 : memref<128x64xf32, #tpu.memory_space<vmem>>) target(%dma_start3A_425 : memref<128x64xf32, #tpu.memory_space<hbm>>) target_semaphore(%run_scoped3A : memref<!tpu.dma_semaphore, #tpu.memory_space<semaphore_mem>>)
      %dma_wait3A_426 = arith.constant 0 : i32
      %dma_wait3A_427 = tpu.memref_slice %arg4[%add3A_268, %dma_wait3A_426] : memref<106496x64xf32, #tpu.memory_space<hbm>> -> memref<128x64xf32, #tpu.memory_space<hbm>>
      %dma_wait3A_428 = arith.constant 0 : i32
      %dma_wait3A_429 = tpu.memref_slice %arg4[%add3A_268, %dma_wait3A_428] : memref<106496x64xf32, #tpu.memory_space<hbm>> -> memref<128x64xf32, #tpu.memory_space<hbm>>
      tpu.wait_dma2 semaphore(%run_scoped3A : memref<!tpu.dma_semaphore, #tpu.memory_space<semaphore_mem>>) src(%arg7 : memref<128x64xf32, #tpu.memory_space<vmem>>) dst(%dma_wait3A_429 : memref<128x64xf32, #tpu.memory_space<hbm>>)
      tpu.yield
    }) : () -> ()
    %dma_start3A_269 = arith.constant 17 : i32
    %dma_start3A_270 = arith.constant 0 : i32
    %dma_start3A_271 = tpu.memref_slice %arg5[%dma_start3A_269, %dma_start3A_270] : memref<26x128xi32, #tpu.memory_space<vmem>> -> memref<1x128xi32, #tpu.memory_space<vmem>>
    %dma_start3A_272 = tpu.memref_squeeze %dma_start3A_271 : memref<1x128xi32, #tpu.memory_space<vmem>> -> memref<128xi32, #tpu.memory_space<vmem>>
    %dma_start3A_273 = arith.constant 0 : i32
    %dma_start3A_274 = arith.constant 0 : i32
    %dma_start3A_275 = tpu.memref_slice %arg2[%dma_start3A_273, %dma_start3A_274] : memref<2600026x64xf32, #tpu.memory_space<hbm>> -> memref<2600026x64xf32, #tpu.memory_space<hbm>>
    tpu.enqueue_indirect_dma source(%dma_start3A_275 : memref<2600026x64xf32, #tpu.memory_space<hbm>>) target(%arg7 : memref<128x64xf32, #tpu.memory_space<vmem>>) offsets(%dma_start3A_272 : memref<128xi32, #tpu.memory_space<vmem>>) semaphore(%arg9 : memref<!tpu.dma_semaphore, #tpu.memory_space<semaphore_mem>>)
    %dma_wait3A_276 = arith.constant 16 : i32
    %dma_wait3A_277 = arith.constant 0 : i32
    %dma_wait3A_278 = tpu.memref_slice %arg5[%dma_wait3A_276, %dma_wait3A_277] : memref<26x128xi32, #tpu.memory_space<vmem>> -> memref<1x128xi32, #tpu.memory_space<vmem>>
    %dma_wait3A_279 = tpu.memref_squeeze %dma_wait3A_278 : memref<1x128xi32, #tpu.memory_space<vmem>> -> memref<128xi32, #tpu.memory_space<vmem>>
    %dma_wait3A_280 = arith.constant 0 : i32
    %dma_wait3A_281 = arith.constant 0 : i32
    %dma_wait3A_282 = tpu.memref_slice %arg2[%dma_wait3A_280, %dma_wait3A_281] : memref<2600026x64xf32, #tpu.memory_space<hbm>> -> memref<2600026x64xf32, #tpu.memory_space<hbm>>
    tpu.wait_indirect_dma semaphore(%arg8 : memref<!tpu.dma_semaphore, #tpu.memory_space<semaphore_mem>>) src(%dma_wait3A_282 : memref<2600026x64xf32, #tpu.memory_space<hbm>>) dst(%arg6 : memref<128x64xf32, #tpu.memory_space<vmem>>)
    %add3A_283 = arith.constant 2048 : i32
    %add3A_284 = arith.addi %mul3A_2, %add3A_283 : i32
    "tpu.region"() ({
      %run_scoped3A = tpu.sem_alloc : memref<!tpu.dma_semaphore, #tpu.memory_space<semaphore_mem>>
      %dma_start3A_422 = arith.constant 0 : i32
      %dma_start3A_423 = tpu.memref_slice %arg4[%add3A_284, %dma_start3A_422] : memref<106496x64xf32, #tpu.memory_space<hbm>> -> memref<128x64xf32, #tpu.memory_space<hbm>>
      %dma_start3A_424 = arith.constant 0 : i32
      %dma_start3A_425 = tpu.memref_slice %arg4[%add3A_284, %dma_start3A_424] : memref<106496x64xf32, #tpu.memory_space<hbm>> -> memref<128x64xf32, #tpu.memory_space<hbm>>
      tpu.enqueue_dma source(%arg6 : memref<128x64xf32, #tpu.memory_space<vmem>>) target(%dma_start3A_425 : memref<128x64xf32, #tpu.memory_space<hbm>>) target_semaphore(%run_scoped3A : memref<!tpu.dma_semaphore, #tpu.memory_space<semaphore_mem>>)
      %dma_wait3A_426 = arith.constant 0 : i32
      %dma_wait3A_427 = tpu.memref_slice %arg4[%add3A_284, %dma_wait3A_426] : memref<106496x64xf32, #tpu.memory_space<hbm>> -> memref<128x64xf32, #tpu.memory_space<hbm>>
      %dma_wait3A_428 = arith.constant 0 : i32
      %dma_wait3A_429 = tpu.memref_slice %arg4[%add3A_284, %dma_wait3A_428] : memref<106496x64xf32, #tpu.memory_space<hbm>> -> memref<128x64xf32, #tpu.memory_space<hbm>>
      tpu.wait_dma2 semaphore(%run_scoped3A : memref<!tpu.dma_semaphore, #tpu.memory_space<semaphore_mem>>) src(%arg6 : memref<128x64xf32, #tpu.memory_space<vmem>>) dst(%dma_wait3A_429 : memref<128x64xf32, #tpu.memory_space<hbm>>)
      tpu.yield
    }) : () -> ()
    %dma_start3A_285 = arith.constant 18 : i32
    %dma_start3A_286 = arith.constant 0 : i32
    %dma_start3A_287 = tpu.memref_slice %arg5[%dma_start3A_285, %dma_start3A_286] : memref<26x128xi32, #tpu.memory_space<vmem>> -> memref<1x128xi32, #tpu.memory_space<vmem>>
    %dma_start3A_288 = tpu.memref_squeeze %dma_start3A_287 : memref<1x128xi32, #tpu.memory_space<vmem>> -> memref<128xi32, #tpu.memory_space<vmem>>
    %dma_start3A_289 = arith.constant 0 : i32
    %dma_start3A_290 = arith.constant 0 : i32
    %dma_start3A_291 = tpu.memref_slice %arg2[%dma_start3A_289, %dma_start3A_290] : memref<2600026x64xf32, #tpu.memory_space<hbm>> -> memref<2600026x64xf32, #tpu.memory_space<hbm>>
    tpu.enqueue_indirect_dma source(%dma_start3A_291 : memref<2600026x64xf32, #tpu.memory_space<hbm>>) target(%arg6 : memref<128x64xf32, #tpu.memory_space<vmem>>) offsets(%dma_start3A_288 : memref<128xi32, #tpu.memory_space<vmem>>) semaphore(%arg8 : memref<!tpu.dma_semaphore, #tpu.memory_space<semaphore_mem>>)
    %dma_wait3A_292 = arith.constant 17 : i32
    %dma_wait3A_293 = arith.constant 0 : i32
    %dma_wait3A_294 = tpu.memref_slice %arg5[%dma_wait3A_292, %dma_wait3A_293] : memref<26x128xi32, #tpu.memory_space<vmem>> -> memref<1x128xi32, #tpu.memory_space<vmem>>
    %dma_wait3A_295 = tpu.memref_squeeze %dma_wait3A_294 : memref<1x128xi32, #tpu.memory_space<vmem>> -> memref<128xi32, #tpu.memory_space<vmem>>
    %dma_wait3A_296 = arith.constant 0 : i32
    %dma_wait3A_297 = arith.constant 0 : i32
    %dma_wait3A_298 = tpu.memref_slice %arg2[%dma_wait3A_296, %dma_wait3A_297] : memref<2600026x64xf32, #tpu.memory_space<hbm>> -> memref<2600026x64xf32, #tpu.memory_space<hbm>>
    tpu.wait_indirect_dma semaphore(%arg9 : memref<!tpu.dma_semaphore, #tpu.memory_space<semaphore_mem>>) src(%dma_wait3A_298 : memref<2600026x64xf32, #tpu.memory_space<hbm>>) dst(%arg7 : memref<128x64xf32, #tpu.memory_space<vmem>>)
    %add3A_299 = arith.constant 2176 : i32
    %add3A_300 = arith.addi %mul3A_2, %add3A_299 : i32
    "tpu.region"() ({
      %run_scoped3A = tpu.sem_alloc : memref<!tpu.dma_semaphore, #tpu.memory_space<semaphore_mem>>
      %dma_start3A_422 = arith.constant 0 : i32
      %dma_start3A_423 = tpu.memref_slice %arg4[%add3A_300, %dma_start3A_422] : memref<106496x64xf32, #tpu.memory_space<hbm>> -> memref<128x64xf32, #tpu.memory_space<hbm>>
      %dma_start3A_424 = arith.constant 0 : i32
      %dma_start3A_425 = tpu.memref_slice %arg4[%add3A_300, %dma_start3A_424] : memref<106496x64xf32, #tpu.memory_space<hbm>> -> memref<128x64xf32, #tpu.memory_space<hbm>>
      tpu.enqueue_dma source(%arg7 : memref<128x64xf32, #tpu.memory_space<vmem>>) target(%dma_start3A_425 : memref<128x64xf32, #tpu.memory_space<hbm>>) target_semaphore(%run_scoped3A : memref<!tpu.dma_semaphore, #tpu.memory_space<semaphore_mem>>)
      %dma_wait3A_426 = arith.constant 0 : i32
      %dma_wait3A_427 = tpu.memref_slice %arg4[%add3A_300, %dma_wait3A_426] : memref<106496x64xf32, #tpu.memory_space<hbm>> -> memref<128x64xf32, #tpu.memory_space<hbm>>
      %dma_wait3A_428 = arith.constant 0 : i32
      %dma_wait3A_429 = tpu.memref_slice %arg4[%add3A_300, %dma_wait3A_428] : memref<106496x64xf32, #tpu.memory_space<hbm>> -> memref<128x64xf32, #tpu.memory_space<hbm>>
      tpu.wait_dma2 semaphore(%run_scoped3A : memref<!tpu.dma_semaphore, #tpu.memory_space<semaphore_mem>>) src(%arg7 : memref<128x64xf32, #tpu.memory_space<vmem>>) dst(%dma_wait3A_429 : memref<128x64xf32, #tpu.memory_space<hbm>>)
      tpu.yield
    }) : () -> ()
    %dma_start3A_301 = arith.constant 19 : i32
    %dma_start3A_302 = arith.constant 0 : i32
    %dma_start3A_303 = tpu.memref_slice %arg5[%dma_start3A_301, %dma_start3A_302] : memref<26x128xi32, #tpu.memory_space<vmem>> -> memref<1x128xi32, #tpu.memory_space<vmem>>
    %dma_start3A_304 = tpu.memref_squeeze %dma_start3A_303 : memref<1x128xi32, #tpu.memory_space<vmem>> -> memref<128xi32, #tpu.memory_space<vmem>>
    %dma_start3A_305 = arith.constant 0 : i32
    %dma_start3A_306 = arith.constant 0 : i32
    %dma_start3A_307 = tpu.memref_slice %arg2[%dma_start3A_305, %dma_start3A_306] : memref<2600026x64xf32, #tpu.memory_space<hbm>> -> memref<2600026x64xf32, #tpu.memory_space<hbm>>
    tpu.enqueue_indirect_dma source(%dma_start3A_307 : memref<2600026x64xf32, #tpu.memory_space<hbm>>) target(%arg7 : memref<128x64xf32, #tpu.memory_space<vmem>>) offsets(%dma_start3A_304 : memref<128xi32, #tpu.memory_space<vmem>>) semaphore(%arg9 : memref<!tpu.dma_semaphore, #tpu.memory_space<semaphore_mem>>)
    %dma_wait3A_308 = arith.constant 18 : i32
    %dma_wait3A_309 = arith.constant 0 : i32
    %dma_wait3A_310 = tpu.memref_slice %arg5[%dma_wait3A_308, %dma_wait3A_309] : memref<26x128xi32, #tpu.memory_space<vmem>> -> memref<1x128xi32, #tpu.memory_space<vmem>>
    %dma_wait3A_311 = tpu.memref_squeeze %dma_wait3A_310 : memref<1x128xi32, #tpu.memory_space<vmem>> -> memref<128xi32, #tpu.memory_space<vmem>>
    %dma_wait3A_312 = arith.constant 0 : i32
    %dma_wait3A_313 = arith.constant 0 : i32
    %dma_wait3A_314 = tpu.memref_slice %arg2[%dma_wait3A_312, %dma_wait3A_313] : memref<2600026x64xf32, #tpu.memory_space<hbm>> -> memref<2600026x64xf32, #tpu.memory_space<hbm>>
    tpu.wait_indirect_dma semaphore(%arg8 : memref<!tpu.dma_semaphore, #tpu.memory_space<semaphore_mem>>) src(%dma_wait3A_314 : memref<2600026x64xf32, #tpu.memory_space<hbm>>) dst(%arg6 : memref<128x64xf32, #tpu.memory_space<vmem>>)
    %add3A_315 = arith.constant 2304 : i32
    %add3A_316 = arith.addi %mul3A_2, %add3A_315 : i32
    "tpu.region"() ({
      %run_scoped3A = tpu.sem_alloc : memref<!tpu.dma_semaphore, #tpu.memory_space<semaphore_mem>>
      %dma_start3A_422 = arith.constant 0 : i32
      %dma_start3A_423 = tpu.memref_slice %arg4[%add3A_316, %dma_start3A_422] : memref<106496x64xf32, #tpu.memory_space<hbm>> -> memref<128x64xf32, #tpu.memory_space<hbm>>
      %dma_start3A_424 = arith.constant 0 : i32
      %dma_start3A_425 = tpu.memref_slice %arg4[%add3A_316, %dma_start3A_424] : memref<106496x64xf32, #tpu.memory_space<hbm>> -> memref<128x64xf32, #tpu.memory_space<hbm>>
      tpu.enqueue_dma source(%arg6 : memref<128x64xf32, #tpu.memory_space<vmem>>) target(%dma_start3A_425 : memref<128x64xf32, #tpu.memory_space<hbm>>) target_semaphore(%run_scoped3A : memref<!tpu.dma_semaphore, #tpu.memory_space<semaphore_mem>>)
      %dma_wait3A_426 = arith.constant 0 : i32
      %dma_wait3A_427 = tpu.memref_slice %arg4[%add3A_316, %dma_wait3A_426] : memref<106496x64xf32, #tpu.memory_space<hbm>> -> memref<128x64xf32, #tpu.memory_space<hbm>>
      %dma_wait3A_428 = arith.constant 0 : i32
      %dma_wait3A_429 = tpu.memref_slice %arg4[%add3A_316, %dma_wait3A_428] : memref<106496x64xf32, #tpu.memory_space<hbm>> -> memref<128x64xf32, #tpu.memory_space<hbm>>
      tpu.wait_dma2 semaphore(%run_scoped3A : memref<!tpu.dma_semaphore, #tpu.memory_space<semaphore_mem>>) src(%arg6 : memref<128x64xf32, #tpu.memory_space<vmem>>) dst(%dma_wait3A_429 : memref<128x64xf32, #tpu.memory_space<hbm>>)
      tpu.yield
    }) : () -> ()
    %dma_start3A_317 = arith.constant 20 : i32
    %dma_start3A_318 = arith.constant 0 : i32
    %dma_start3A_319 = tpu.memref_slice %arg5[%dma_start3A_317, %dma_start3A_318] : memref<26x128xi32, #tpu.memory_space<vmem>> -> memref<1x128xi32, #tpu.memory_space<vmem>>
    %dma_start3A_320 = tpu.memref_squeeze %dma_start3A_319 : memref<1x128xi32, #tpu.memory_space<vmem>> -> memref<128xi32, #tpu.memory_space<vmem>>
    %dma_start3A_321 = arith.constant 0 : i32
    %dma_start3A_322 = arith.constant 0 : i32
    %dma_start3A_323 = tpu.memref_slice %arg2[%dma_start3A_321, %dma_start3A_322] : memref<2600026x64xf32, #tpu.memory_space<hbm>> -> memref<2600026x64xf32, #tpu.memory_space<hbm>>
    tpu.enqueue_indirect_dma source(%dma_start3A_323 : memref<2600026x64xf32, #tpu.memory_space<hbm>>) target(%arg6 : memref<128x64xf32, #tpu.memory_space<vmem>>) offsets(%dma_start3A_320 : memref<128xi32, #tpu.memory_space<vmem>>) semaphore(%arg8 : memref<!tpu.dma_semaphore, #tpu.memory_space<semaphore_mem>>)
    %dma_wait3A_324 = arith.constant 19 : i32
    %dma_wait3A_325 = arith.constant 0 : i32
    %dma_wait3A_326 = tpu.memref_slice %arg5[%dma_wait3A_324, %dma_wait3A_325] : memref<26x128xi32, #tpu.memory_space<vmem>> -> memref<1x128xi32, #tpu.memory_space<vmem>>
    %dma_wait3A_327 = tpu.memref_squeeze %dma_wait3A_326 : memref<1x128xi32, #tpu.memory_space<vmem>> -> memref<128xi32, #tpu.memory_space<vmem>>
    %dma_wait3A_328 = arith.constant 0 : i32
    %dma_wait3A_329 = arith.constant 0 : i32
    %dma_wait3A_330 = tpu.memref_slice %arg2[%dma_wait3A_328, %dma_wait3A_329] : memref<2600026x64xf32, #tpu.memory_space<hbm>> -> memref<2600026x64xf32, #tpu.memory_space<hbm>>
    tpu.wait_indirect_dma semaphore(%arg9 : memref<!tpu.dma_semaphore, #tpu.memory_space<semaphore_mem>>) src(%dma_wait3A_330 : memref<2600026x64xf32, #tpu.memory_space<hbm>>) dst(%arg7 : memref<128x64xf32, #tpu.memory_space<vmem>>)
    %add3A_331 = arith.constant 2432 : i32
    %add3A_332 = arith.addi %mul3A_2, %add3A_331 : i32
    "tpu.region"() ({
      %run_scoped3A = tpu.sem_alloc : memref<!tpu.dma_semaphore, #tpu.memory_space<semaphore_mem>>
      %dma_start3A_422 = arith.constant 0 : i32
      %dma_start3A_423 = tpu.memref_slice %arg4[%add3A_332, %dma_start3A_422] : memref<106496x64xf32, #tpu.memory_space<hbm>> -> memref<128x64xf32, #tpu.memory_space<hbm>>
      %dma_start3A_424 = arith.constant 0 : i32
      %dma_start3A_425 = tpu.memref_slice %arg4[%add3A_332, %dma_start3A_424] : memref<106496x64xf32, #tpu.memory_space<hbm>> -> memref<128x64xf32, #tpu.memory_space<hbm>>
      tpu.enqueue_dma source(%arg7 : memref<128x64xf32, #tpu.memory_space<vmem>>) target(%dma_start3A_425 : memref<128x64xf32, #tpu.memory_space<hbm>>) target_semaphore(%run_scoped3A : memref<!tpu.dma_semaphore, #tpu.memory_space<semaphore_mem>>)
      %dma_wait3A_426 = arith.constant 0 : i32
      %dma_wait3A_427 = tpu.memref_slice %arg4[%add3A_332, %dma_wait3A_426] : memref<106496x64xf32, #tpu.memory_space<hbm>> -> memref<128x64xf32, #tpu.memory_space<hbm>>
      %dma_wait3A_428 = arith.constant 0 : i32
      %dma_wait3A_429 = tpu.memref_slice %arg4[%add3A_332, %dma_wait3A_428] : memref<106496x64xf32, #tpu.memory_space<hbm>> -> memref<128x64xf32, #tpu.memory_space<hbm>>
      tpu.wait_dma2 semaphore(%run_scoped3A : memref<!tpu.dma_semaphore, #tpu.memory_space<semaphore_mem>>) src(%arg7 : memref<128x64xf32, #tpu.memory_space<vmem>>) dst(%dma_wait3A_429 : memref<128x64xf32, #tpu.memory_space<hbm>>)
      tpu.yield
    }) : () -> ()
    %dma_start3A_333 = arith.constant 21 : i32
    %dma_start3A_334 = arith.constant 0 : i32
    %dma_start3A_335 = tpu.memref_slice %arg5[%dma_start3A_333, %dma_start3A_334] : memref<26x128xi32, #tpu.memory_space<vmem>> -> memref<1x128xi32, #tpu.memory_space<vmem>>
    %dma_start3A_336 = tpu.memref_squeeze %dma_start3A_335 : memref<1x128xi32, #tpu.memory_space<vmem>> -> memref<128xi32, #tpu.memory_space<vmem>>
    %dma_start3A_337 = arith.constant 0 : i32
    %dma_start3A_338 = arith.constant 0 : i32
    %dma_start3A_339 = tpu.memref_slice %arg2[%dma_start3A_337, %dma_start3A_338] : memref<2600026x64xf32, #tpu.memory_space<hbm>> -> memref<2600026x64xf32, #tpu.memory_space<hbm>>
    tpu.enqueue_indirect_dma source(%dma_start3A_339 : memref<2600026x64xf32, #tpu.memory_space<hbm>>) target(%arg7 : memref<128x64xf32, #tpu.memory_space<vmem>>) offsets(%dma_start3A_336 : memref<128xi32, #tpu.memory_space<vmem>>) semaphore(%arg9 : memref<!tpu.dma_semaphore, #tpu.memory_space<semaphore_mem>>)
    %dma_wait3A_340 = arith.constant 20 : i32
    %dma_wait3A_341 = arith.constant 0 : i32
    %dma_wait3A_342 = tpu.memref_slice %arg5[%dma_wait3A_340, %dma_wait3A_341] : memref<26x128xi32, #tpu.memory_space<vmem>> -> memref<1x128xi32, #tpu.memory_space<vmem>>
    %dma_wait3A_343 = tpu.memref_squeeze %dma_wait3A_342 : memref<1x128xi32, #tpu.memory_space<vmem>> -> memref<128xi32, #tpu.memory_space<vmem>>
    %dma_wait3A_344 = arith.constant 0 : i32
    %dma_wait3A_345 = arith.constant 0 : i32
    %dma_wait3A_346 = tpu.memref_slice %arg2[%dma_wait3A_344, %dma_wait3A_345] : memref<2600026x64xf32, #tpu.memory_space<hbm>> -> memref<2600026x64xf32, #tpu.memory_space<hbm>>
    tpu.wait_indirect_dma semaphore(%arg8 : memref<!tpu.dma_semaphore, #tpu.memory_space<semaphore_mem>>) src(%dma_wait3A_346 : memref<2600026x64xf32, #tpu.memory_space<hbm>>) dst(%arg6 : memref<128x64xf32, #tpu.memory_space<vmem>>)
    %add3A_347 = arith.constant 2560 : i32
    %add3A_348 = arith.addi %mul3A_2, %add3A_347 : i32
    "tpu.region"() ({
      %run_scoped3A = tpu.sem_alloc : memref<!tpu.dma_semaphore, #tpu.memory_space<semaphore_mem>>
      %dma_start3A_422 = arith.constant 0 : i32
      %dma_start3A_423 = tpu.memref_slice %arg4[%add3A_348, %dma_start3A_422] : memref<106496x64xf32, #tpu.memory_space<hbm>> -> memref<128x64xf32, #tpu.memory_space<hbm>>
      %dma_start3A_424 = arith.constant 0 : i32
      %dma_start3A_425 = tpu.memref_slice %arg4[%add3A_348, %dma_start3A_424] : memref<106496x64xf32, #tpu.memory_space<hbm>> -> memref<128x64xf32, #tpu.memory_space<hbm>>
      tpu.enqueue_dma source(%arg6 : memref<128x64xf32, #tpu.memory_space<vmem>>) target(%dma_start3A_425 : memref<128x64xf32, #tpu.memory_space<hbm>>) target_semaphore(%run_scoped3A : memref<!tpu.dma_semaphore, #tpu.memory_space<semaphore_mem>>)
      %dma_wait3A_426 = arith.constant 0 : i32
      %dma_wait3A_427 = tpu.memref_slice %arg4[%add3A_348, %dma_wait3A_426] : memref<106496x64xf32, #tpu.memory_space<hbm>> -> memref<128x64xf32, #tpu.memory_space<hbm>>
      %dma_wait3A_428 = arith.constant 0 : i32
      %dma_wait3A_429 = tpu.memref_slice %arg4[%add3A_348, %dma_wait3A_428] : memref<106496x64xf32, #tpu.memory_space<hbm>> -> memref<128x64xf32, #tpu.memory_space<hbm>>
      tpu.wait_dma2 semaphore(%run_scoped3A : memref<!tpu.dma_semaphore, #tpu.memory_space<semaphore_mem>>) src(%arg6 : memref<128x64xf32, #tpu.memory_space<vmem>>) dst(%dma_wait3A_429 : memref<128x64xf32, #tpu.memory_space<hbm>>)
      tpu.yield
    }) : () -> ()
    %dma_start3A_349 = arith.constant 22 : i32
    %dma_start3A_350 = arith.constant 0 : i32
    %dma_start3A_351 = tpu.memref_slice %arg5[%dma_start3A_349, %dma_start3A_350] : memref<26x128xi32, #tpu.memory_space<vmem>> -> memref<1x128xi32, #tpu.memory_space<vmem>>
    %dma_start3A_352 = tpu.memref_squeeze %dma_start3A_351 : memref<1x128xi32, #tpu.memory_space<vmem>> -> memref<128xi32, #tpu.memory_space<vmem>>
    %dma_start3A_353 = arith.constant 0 : i32
    %dma_start3A_354 = arith.constant 0 : i32
    %dma_start3A_355 = tpu.memref_slice %arg2[%dma_start3A_353, %dma_start3A_354] : memref<2600026x64xf32, #tpu.memory_space<hbm>> -> memref<2600026x64xf32, #tpu.memory_space<hbm>>
    tpu.enqueue_indirect_dma source(%dma_start3A_355 : memref<2600026x64xf32, #tpu.memory_space<hbm>>) target(%arg6 : memref<128x64xf32, #tpu.memory_space<vmem>>) offsets(%dma_start3A_352 : memref<128xi32, #tpu.memory_space<vmem>>) semaphore(%arg8 : memref<!tpu.dma_semaphore, #tpu.memory_space<semaphore_mem>>)
    %dma_wait3A_356 = arith.constant 21 : i32
    %dma_wait3A_357 = arith.constant 0 : i32
    %dma_wait3A_358 = tpu.memref_slice %arg5[%dma_wait3A_356, %dma_wait3A_357] : memref<26x128xi32, #tpu.memory_space<vmem>> -> memref<1x128xi32, #tpu.memory_space<vmem>>
    %dma_wait3A_359 = tpu.memref_squeeze %dma_wait3A_358 : memref<1x128xi32, #tpu.memory_space<vmem>> -> memref<128xi32, #tpu.memory_space<vmem>>
    %dma_wait3A_360 = arith.constant 0 : i32
    %dma_wait3A_361 = arith.constant 0 : i32
    %dma_wait3A_362 = tpu.memref_slice %arg2[%dma_wait3A_360, %dma_wait3A_361] : memref<2600026x64xf32, #tpu.memory_space<hbm>> -> memref<2600026x64xf32, #tpu.memory_space<hbm>>
    tpu.wait_indirect_dma semaphore(%arg9 : memref<!tpu.dma_semaphore, #tpu.memory_space<semaphore_mem>>) src(%dma_wait3A_362 : memref<2600026x64xf32, #tpu.memory_space<hbm>>) dst(%arg7 : memref<128x64xf32, #tpu.memory_space<vmem>>)
    %add3A_363 = arith.constant 2688 : i32
    %add3A_364 = arith.addi %mul3A_2, %add3A_363 : i32
    "tpu.region"() ({
      %run_scoped3A = tpu.sem_alloc : memref<!tpu.dma_semaphore, #tpu.memory_space<semaphore_mem>>
      %dma_start3A_422 = arith.constant 0 : i32
      %dma_start3A_423 = tpu.memref_slice %arg4[%add3A_364, %dma_start3A_422] : memref<106496x64xf32, #tpu.memory_space<hbm>> -> memref<128x64xf32, #tpu.memory_space<hbm>>
      %dma_start3A_424 = arith.constant 0 : i32
      %dma_start3A_425 = tpu.memref_slice %arg4[%add3A_364, %dma_start3A_424] : memref<106496x64xf32, #tpu.memory_space<hbm>> -> memref<128x64xf32, #tpu.memory_space<hbm>>
      tpu.enqueue_dma source(%arg7 : memref<128x64xf32, #tpu.memory_space<vmem>>) target(%dma_start3A_425 : memref<128x64xf32, #tpu.memory_space<hbm>>) target_semaphore(%run_scoped3A : memref<!tpu.dma_semaphore, #tpu.memory_space<semaphore_mem>>)
      %dma_wait3A_426 = arith.constant 0 : i32
      %dma_wait3A_427 = tpu.memref_slice %arg4[%add3A_364, %dma_wait3A_426] : memref<106496x64xf32, #tpu.memory_space<hbm>> -> memref<128x64xf32, #tpu.memory_space<hbm>>
      %dma_wait3A_428 = arith.constant 0 : i32
      %dma_wait3A_429 = tpu.memref_slice %arg4[%add3A_364, %dma_wait3A_428] : memref<106496x64xf32, #tpu.memory_space<hbm>> -> memref<128x64xf32, #tpu.memory_space<hbm>>
      tpu.wait_dma2 semaphore(%run_scoped3A : memref<!tpu.dma_semaphore, #tpu.memory_space<semaphore_mem>>) src(%arg7 : memref<128x64xf32, #tpu.memory_space<vmem>>) dst(%dma_wait3A_429 : memref<128x64xf32, #tpu.memory_space<hbm>>)
      tpu.yield
    }) : () -> ()
    %dma_start3A_365 = arith.constant 23 : i32
    %dma_start3A_366 = arith.constant 0 : i32
    %dma_start3A_367 = tpu.memref_slice %arg5[%dma_start3A_365, %dma_start3A_366] : memref<26x128xi32, #tpu.memory_space<vmem>> -> memref<1x128xi32, #tpu.memory_space<vmem>>
    %dma_start3A_368 = tpu.memref_squeeze %dma_start3A_367 : memref<1x128xi32, #tpu.memory_space<vmem>> -> memref<128xi32, #tpu.memory_space<vmem>>
    %dma_start3A_369 = arith.constant 0 : i32
    %dma_start3A_370 = arith.constant 0 : i32
    %dma_start3A_371 = tpu.memref_slice %arg2[%dma_start3A_369, %dma_start3A_370] : memref<2600026x64xf32, #tpu.memory_space<hbm>> -> memref<2600026x64xf32, #tpu.memory_space<hbm>>
    tpu.enqueue_indirect_dma source(%dma_start3A_371 : memref<2600026x64xf32, #tpu.memory_space<hbm>>) target(%arg7 : memref<128x64xf32, #tpu.memory_space<vmem>>) offsets(%dma_start3A_368 : memref<128xi32, #tpu.memory_space<vmem>>) semaphore(%arg9 : memref<!tpu.dma_semaphore, #tpu.memory_space<semaphore_mem>>)
    %dma_wait3A_372 = arith.constant 22 : i32
    %dma_wait3A_373 = arith.constant 0 : i32
    %dma_wait3A_374 = tpu.memref_slice %arg5[%dma_wait3A_372, %dma_wait3A_373] : memref<26x128xi32, #tpu.memory_space<vmem>> -> memref<1x128xi32, #tpu.memory_space<vmem>>
    %dma_wait3A_375 = tpu.memref_squeeze %dma_wait3A_374 : memref<1x128xi32, #tpu.memory_space<vmem>> -> memref<128xi32, #tpu.memory_space<vmem>>
    %dma_wait3A_376 = arith.constant 0 : i32
    %dma_wait3A_377 = arith.constant 0 : i32
    %dma_wait3A_378 = tpu.memref_slice %arg2[%dma_wait3A_376, %dma_wait3A_377] : memref<2600026x64xf32, #tpu.memory_space<hbm>> -> memref<2600026x64xf32, #tpu.memory_space<hbm>>
    tpu.wait_indirect_dma semaphore(%arg8 : memref<!tpu.dma_semaphore, #tpu.memory_space<semaphore_mem>>) src(%dma_wait3A_378 : memref<2600026x64xf32, #tpu.memory_space<hbm>>) dst(%arg6 : memref<128x64xf32, #tpu.memory_space<vmem>>)
    %add3A_379 = arith.constant 2816 : i32
    %add3A_380 = arith.addi %mul3A_2, %add3A_379 : i32
    "tpu.region"() ({
      %run_scoped3A = tpu.sem_alloc : memref<!tpu.dma_semaphore, #tpu.memory_space<semaphore_mem>>
      %dma_start3A_422 = arith.constant 0 : i32
      %dma_start3A_423 = tpu.memref_slice %arg4[%add3A_380, %dma_start3A_422] : memref<106496x64xf32, #tpu.memory_space<hbm>> -> memref<128x64xf32, #tpu.memory_space<hbm>>
      %dma_start3A_424 = arith.constant 0 : i32
      %dma_start3A_425 = tpu.memref_slice %arg4[%add3A_380, %dma_start3A_424] : memref<106496x64xf32, #tpu.memory_space<hbm>> -> memref<128x64xf32, #tpu.memory_space<hbm>>
      tpu.enqueue_dma source(%arg6 : memref<128x64xf32, #tpu.memory_space<vmem>>) target(%dma_start3A_425 : memref<128x64xf32, #tpu.memory_space<hbm>>) target_semaphore(%run_scoped3A : memref<!tpu.dma_semaphore, #tpu.memory_space<semaphore_mem>>)
      %dma_wait3A_426 = arith.constant 0 : i32
      %dma_wait3A_427 = tpu.memref_slice %arg4[%add3A_380, %dma_wait3A_426] : memref<106496x64xf32, #tpu.memory_space<hbm>> -> memref<128x64xf32, #tpu.memory_space<hbm>>
      %dma_wait3A_428 = arith.constant 0 : i32
      %dma_wait3A_429 = tpu.memref_slice %arg4[%add3A_380, %dma_wait3A_428] : memref<106496x64xf32, #tpu.memory_space<hbm>> -> memref<128x64xf32, #tpu.memory_space<hbm>>
      tpu.wait_dma2 semaphore(%run_scoped3A : memref<!tpu.dma_semaphore, #tpu.memory_space<semaphore_mem>>) src(%arg6 : memref<128x64xf32, #tpu.memory_space<vmem>>) dst(%dma_wait3A_429 : memref<128x64xf32, #tpu.memory_space<hbm>>)
      tpu.yield
    }) : () -> ()
    %dma_start3A_381 = arith.constant 24 : i32
    %dma_start3A_382 = arith.constant 0 : i32
    %dma_start3A_383 = tpu.memref_slice %arg5[%dma_start3A_381, %dma_start3A_382] : memref<26x128xi32, #tpu.memory_space<vmem>> -> memref<1x128xi32, #tpu.memory_space<vmem>>
    %dma_start3A_384 = tpu.memref_squeeze %dma_start3A_383 : memref<1x128xi32, #tpu.memory_space<vmem>> -> memref<128xi32, #tpu.memory_space<vmem>>
    %dma_start3A_385 = arith.constant 0 : i32
    %dma_start3A_386 = arith.constant 0 : i32
    %dma_start3A_387 = tpu.memref_slice %arg2[%dma_start3A_385, %dma_start3A_386] : memref<2600026x64xf32, #tpu.memory_space<hbm>> -> memref<2600026x64xf32, #tpu.memory_space<hbm>>
    tpu.enqueue_indirect_dma source(%dma_start3A_387 : memref<2600026x64xf32, #tpu.memory_space<hbm>>) target(%arg6 : memref<128x64xf32, #tpu.memory_space<vmem>>) offsets(%dma_start3A_384 : memref<128xi32, #tpu.memory_space<vmem>>) semaphore(%arg8 : memref<!tpu.dma_semaphore, #tpu.memory_space<semaphore_mem>>)
    %dma_wait3A_388 = arith.constant 23 : i32
    %dma_wait3A_389 = arith.constant 0 : i32
    %dma_wait3A_390 = tpu.memref_slice %arg5[%dma_wait3A_388, %dma_wait3A_389] : memref<26x128xi32, #tpu.memory_space<vmem>> -> memref<1x128xi32, #tpu.memory_space<vmem>>
    %dma_wait3A_391 = tpu.memref_squeeze %dma_wait3A_390 : memref<1x128xi32, #tpu.memory_space<vmem>> -> memref<128xi32, #tpu.memory_space<vmem>>
    %dma_wait3A_392 = arith.constant 0 : i32
    %dma_wait3A_393 = arith.constant 0 : i32
    %dma_wait3A_394 = tpu.memref_slice %arg2[%dma_wait3A_392, %dma_wait3A_393] : memref<2600026x64xf32, #tpu.memory_space<hbm>> -> memref<2600026x64xf32, #tpu.memory_space<hbm>>
    tpu.wait_indirect_dma semaphore(%arg9 : memref<!tpu.dma_semaphore, #tpu.memory_space<semaphore_mem>>) src(%dma_wait3A_394 : memref<2600026x64xf32, #tpu.memory_space<hbm>>) dst(%arg7 : memref<128x64xf32, #tpu.memory_space<vmem>>)
    %add3A_395 = arith.constant 2944 : i32
    %add3A_396 = arith.addi %mul3A_2, %add3A_395 : i32
    "tpu.region"() ({
      %run_scoped3A = tpu.sem_alloc : memref<!tpu.dma_semaphore, #tpu.memory_space<semaphore_mem>>
      %dma_start3A_422 = arith.constant 0 : i32
      %dma_start3A_423 = tpu.memref_slice %arg4[%add3A_396, %dma_start3A_422] : memref<106496x64xf32, #tpu.memory_space<hbm>> -> memref<128x64xf32, #tpu.memory_space<hbm>>
      %dma_start3A_424 = arith.constant 0 : i32
      %dma_start3A_425 = tpu.memref_slice %arg4[%add3A_396, %dma_start3A_424] : memref<106496x64xf32, #tpu.memory_space<hbm>> -> memref<128x64xf32, #tpu.memory_space<hbm>>
      tpu.enqueue_dma source(%arg7 : memref<128x64xf32, #tpu.memory_space<vmem>>) target(%dma_start3A_425 : memref<128x64xf32, #tpu.memory_space<hbm>>) target_semaphore(%run_scoped3A : memref<!tpu.dma_semaphore, #tpu.memory_space<semaphore_mem>>)
      %dma_wait3A_426 = arith.constant 0 : i32
      %dma_wait3A_427 = tpu.memref_slice %arg4[%add3A_396, %dma_wait3A_426] : memref<106496x64xf32, #tpu.memory_space<hbm>> -> memref<128x64xf32, #tpu.memory_space<hbm>>
      %dma_wait3A_428 = arith.constant 0 : i32
      %dma_wait3A_429 = tpu.memref_slice %arg4[%add3A_396, %dma_wait3A_428] : memref<106496x64xf32, #tpu.memory_space<hbm>> -> memref<128x64xf32, #tpu.memory_space<hbm>>
      tpu.wait_dma2 semaphore(%run_scoped3A : memref<!tpu.dma_semaphore, #tpu.memory_space<semaphore_mem>>) src(%arg7 : memref<128x64xf32, #tpu.memory_space<vmem>>) dst(%dma_wait3A_429 : memref<128x64xf32, #tpu.memory_space<hbm>>)
      tpu.yield
    }) : () -> ()
    %dma_start3A_397 = arith.constant 25 : i32
    %dma_start3A_398 = arith.constant 0 : i32
    %dma_start3A_399 = tpu.memref_slice %arg5[%dma_start3A_397, %dma_start3A_398] : memref<26x128xi32, #tpu.memory_space<vmem>> -> memref<1x128xi32, #tpu.memory_space<vmem>>
    %dma_start3A_400 = tpu.memref_squeeze %dma_start3A_399 : memref<1x128xi32, #tpu.memory_space<vmem>> -> memref<128xi32, #tpu.memory_space<vmem>>
    %dma_start3A_401 = arith.constant 0 : i32
    %dma_start3A_402 = arith.constant 0 : i32
    %dma_start3A_403 = tpu.memref_slice %arg2[%dma_start3A_401, %dma_start3A_402] : memref<2600026x64xf32, #tpu.memory_space<hbm>> -> memref<2600026x64xf32, #tpu.memory_space<hbm>>
    tpu.enqueue_indirect_dma source(%dma_start3A_403 : memref<2600026x64xf32, #tpu.memory_space<hbm>>) target(%arg7 : memref<128x64xf32, #tpu.memory_space<vmem>>) offsets(%dma_start3A_400 : memref<128xi32, #tpu.memory_space<vmem>>) semaphore(%arg9 : memref<!tpu.dma_semaphore, #tpu.memory_space<semaphore_mem>>)
    %dma_wait3A_404 = arith.constant 24 : i32
    %dma_wait3A_405 = arith.constant 0 : i32
    %dma_wait3A_406 = tpu.memref_slice %arg5[%dma_wait3A_404, %dma_wait3A_405] : memref<26x128xi32, #tpu.memory_space<vmem>> -> memref<1x128xi32, #tpu.memory_space<vmem>>
    %dma_wait3A_407 = tpu.memref_squeeze %dma_wait3A_406 : memref<1x128xi32, #tpu.memory_space<vmem>> -> memref<128xi32, #tpu.memory_space<vmem>>
    %dma_wait3A_408 = arith.constant 0 : i32
    %dma_wait3A_409 = arith.constant 0 : i32
    %dma_wait3A_410 = tpu.memref_slice %arg2[%dma_wait3A_408, %dma_wait3A_409] : memref<2600026x64xf32, #tpu.memory_space<hbm>> -> memref<2600026x64xf32, #tpu.memory_space<hbm>>
    tpu.wait_indirect_dma semaphore(%arg8 : memref<!tpu.dma_semaphore, #tpu.memory_space<semaphore_mem>>) src(%dma_wait3A_410 : memref<2600026x64xf32, #tpu.memory_space<hbm>>) dst(%arg6 : memref<128x64xf32, #tpu.memory_space<vmem>>)
    %add3A_411 = arith.constant 3072 : i32
    %add3A_412 = arith.addi %mul3A_2, %add3A_411 : i32
    "tpu.region"() ({
      %run_scoped3A = tpu.sem_alloc : memref<!tpu.dma_semaphore, #tpu.memory_space<semaphore_mem>>
      %dma_start3A_422 = arith.constant 0 : i32
      %dma_start3A_423 = tpu.memref_slice %arg4[%add3A_412, %dma_start3A_422] : memref<106496x64xf32, #tpu.memory_space<hbm>> -> memref<128x64xf32, #tpu.memory_space<hbm>>
      %dma_start3A_424 = arith.constant 0 : i32
      %dma_start3A_425 = tpu.memref_slice %arg4[%add3A_412, %dma_start3A_424] : memref<106496x64xf32, #tpu.memory_space<hbm>> -> memref<128x64xf32, #tpu.memory_space<hbm>>
      tpu.enqueue_dma source(%arg6 : memref<128x64xf32, #tpu.memory_space<vmem>>) target(%dma_start3A_425 : memref<128x64xf32, #tpu.memory_space<hbm>>) target_semaphore(%run_scoped3A : memref<!tpu.dma_semaphore, #tpu.memory_space<semaphore_mem>>)
      %dma_wait3A_426 = arith.constant 0 : i32
      %dma_wait3A_427 = tpu.memref_slice %arg4[%add3A_412, %dma_wait3A_426] : memref<106496x64xf32, #tpu.memory_space<hbm>> -> memref<128x64xf32, #tpu.memory_space<hbm>>
      %dma_wait3A_428 = arith.constant 0 : i32
      %dma_wait3A_429 = tpu.memref_slice %arg4[%add3A_412, %dma_wait3A_428] : memref<106496x64xf32, #tpu.memory_space<hbm>> -> memref<128x64xf32, #tpu.memory_space<hbm>>
      tpu.wait_dma2 semaphore(%run_scoped3A : memref<!tpu.dma_semaphore, #tpu.memory_space<semaphore_mem>>) src(%arg6 : memref<128x64xf32, #tpu.memory_space<vmem>>) dst(%dma_wait3A_429 : memref<128x64xf32, #tpu.memory_space<hbm>>)
      tpu.yield
    }) : () -> ()
    %dma_wait3A_413 = arith.constant 25 : i32
    %dma_wait3A_414 = arith.constant 0 : i32
    %dma_wait3A_415 = tpu.memref_slice %arg5[%dma_wait3A_413, %dma_wait3A_414] : memref<26x128xi32, #tpu.memory_space<vmem>> -> memref<1x128xi32, #tpu.memory_space<vmem>>
    %dma_wait3A_416 = tpu.memref_squeeze %dma_wait3A_415 : memref<1x128xi32, #tpu.memory_space<vmem>> -> memref<128xi32, #tpu.memory_space<vmem>>
    %dma_wait3A_417 = arith.constant 0 : i32
    %dma_wait3A_418 = arith.constant 0 : i32
    %dma_wait3A_419 = tpu.memref_slice %arg2[%dma_wait3A_417, %dma_wait3A_418] : memref<2600026x64xf32, #tpu.memory_space<hbm>> -> memref<2600026x64xf32, #tpu.memory_space<hbm>>
    tpu.wait_indirect_dma semaphore(%arg9 : memref<!tpu.dma_semaphore, #tpu.memory_space<semaphore_mem>>) src(%dma_wait3A_419 : memref<2600026x64xf32, #tpu.memory_space<hbm>>) dst(%arg7 : memref<128x64xf32, #tpu.memory_space<vmem>>)
    %add3A_420 = arith.constant 3200 : i32
    %add3A_421 = arith.addi %mul3A_2, %add3A_420 : i32
    "tpu.region"() ({
      %run_scoped3A = tpu.sem_alloc : memref<!tpu.dma_semaphore, #tpu.memory_space<semaphore_mem>>
      %dma_start3A_422 = arith.constant 0 : i32
      %dma_start3A_423 = tpu.memref_slice %arg4[%add3A_421, %dma_start3A_422] : memref<106496x64xf32, #tpu.memory_space<hbm>> -> memref<128x64xf32, #tpu.memory_space<hbm>>
      %dma_start3A_424 = arith.constant 0 : i32
      %dma_start3A_425 = tpu.memref_slice %arg4[%add3A_421, %dma_start3A_424] : memref<106496x64xf32, #tpu.memory_space<hbm>> -> memref<128x64xf32, #tpu.memory_space<hbm>>
      tpu.enqueue_dma source(%arg7 : memref<128x64xf32, #tpu.memory_space<vmem>>) target(%dma_start3A_425 : memref<128x64xf32, #tpu.memory_space<hbm>>) target_semaphore(%run_scoped3A : memref<!tpu.dma_semaphore, #tpu.memory_space<semaphore_mem>>)
      %dma_wait3A_426 = arith.constant 0 : i32
      %dma_wait3A_427 = tpu.memref_slice %arg4[%add3A_421, %dma_wait3A_426] : memref<106496x64xf32, #tpu.memory_space<hbm>> -> memref<128x64xf32, #tpu.memory_space<hbm>>
      %dma_wait3A_428 = arith.constant 0 : i32
      %dma_wait3A_429 = tpu.memref_slice %arg4[%add3A_421, %dma_wait3A_428] : memref<106496x64xf32, #tpu.memory_space<hbm>> -> memref<128x64xf32, #tpu.memory_space<hbm>>
      tpu.wait_dma2 semaphore(%run_scoped3A : memref<!tpu.dma_semaphore, #tpu.memory_space<semaphore_mem>>) src(%arg7 : memref<128x64xf32, #tpu.memory_space<vmem>>) dst(%dma_wait3A_429 : memref<128x64xf32, #tpu.memory_space<hbm>>)
      tpu.yield
    }) : () -> ()
    return
  }
}

</mosaic_0001>

<sc_bundles>
// kernel: kernel.3.cloned.1.call-start
scs
__scs_entry_jumppad:
0x0: {  	(pc) =	sbr.rel $0x88, $3  }
0x1: {  	(tag) =	ssettag $0x0;
	lr =	simm.s32 $0x1  }
0x2: {  	[smem:$0x3F9F] =	sst lr;
	_ =	strace $0xD0000000  }
0x3: {  	_ = 	snop  }
0x4: {  	_ = 	snop  }
0x5: {  	_ = 	snop  }
0x6: {  	_ = 	snop  }
0x7: {  	_ = 	snop  }
__scs_overlays_trampoline_lowered:
0x8: {  	[smem:$0x3FAE] =	sst s0  }
0x9: {  	[smem:$0x3FAF] =	sst s1  }
0xa: {  	[smem:$0x3FB0] =	sst s2  }
0xb: {  	[smem:$0x3FB1] =	sst s3  }
0xc: {  	[smem:$0x3FB2] =	sst s4  }
0xd: {  	[smem:$0x3FB3] =	sst s5  }
0xe: {  	[smem:$0x3FB4] =	sst s6  }
0xf: {  	[smem:$0x3FB5] =	sst s7  }
0x10: {  	[smem:$0x3FB6] =	sst s8  }
0x11: {  	[smem:$0x3FB7] =	sst s9;
	s0 =	simm.s32 @!p0 $0x0  }
0x12: {  	s1 =	sld [smem:$0x3F9D];
	s0 =	simm.s32 @p0 $0x1  }
0x13: {  	[smem:$0x3FB8] =	sst s0;
	s0 =	simm.s32 @!p1 $0x0  }
0x14: {  	s2 =	sld [smem:$0x3F9C];
	s0 =	simm.s32 @p1 $0x1  }
0x15: {  	[smem:$0x3FB9] =	sst s0;
	s0 =	simm.s32 @!p2 $0x0  }
0x16: {  	s3 =	sld [smem:$0x3FDB];
	s0 =	simm.s32 @p2 $0x1  }
0x17: {  	s4 =	simm.s32 $0x1BF5;
	[smem:$0x3FBB] =	sst s0  }
0x18: {  	s0 =	sld [smem:$0x3F9E];
	_ =	swait.ge [sflag:s4], $0x0  }
0x19: {  	s7 =	sld [smem:$0x3F9F]  }
0x1a: {  	s8 =	sadd.s32 $0xFFFFE003, lr  }
0x1b: {  	s9 =	sadd.s32 $0xFFFFFEF7, lr;
	s5 =	simm.s32 $0xFFFFFFFF;
	p2 =	slt.u32 s8, $0xFFFFF086  }
0x1c: {  	p1 =	slt.u32 s9, $0xF7A;
	s5 =	simm.s32 @!p2 $0x0  }
0x1d: {  	s5 =	simm.s32 @p1 $0x1;
	p0 =	seq.s32 s7, s2  }
0x1e: {  	s7 =	smul.u32 @!p0 $0xF7A, s2;
	p2 =	seq.s32 @!p0 s5, $0x0  }
0x1f: {  	s9 =	smul.u32 $0xF7A, s1;
	s8 =	simm.s32 @!p0 $0x1BF5;
	p2 =	por !p2, p0  }
0x20: {  	[sflag:s8] =	ssyncset.s32 @!p0 $0xFFFFF086;
	s6 =	sadd.s32 @!p0 s3, s7;
	s7 =	simm.s32 @!p0 $0x108  }
0x21: {  	s3 =	sadd.s32 s3, s9;
	s6 =	sadd.s32 @!p0 $0x88, s6;
	s7 =	simm.s32 @p2 $0x1082  }
0x22: {  	[simem:s7], [sflag:s8] =	dma.local @!p0 [hbm:s6], $0xF7A  }
0x23: {  	s9 =	sor.u32 $0xD0000000, s2;
	s6 =	simm.s32 $0x108;
	_ =	swait.ge @!p0 [sflag:s8], $0x0  }
0x24: {  	s3 =	sadd.s32 $0x88, s3;
	s6 =	simm.s32 @!p1 $0x1082;
	[sflag:s4] =	ssyncset.s32 $0xFFFFF086  }
0x25: {  	[simem:s6], [sflag:s4] =	dma.local [hbm:s3], $0xF7A  }
0x26: {  	[smem:$0x3F9F] =	sst s1;
	(tag) =	ssettag s2;
	_ =	strace s9  }
0x27: {  	s1 =	sld [smem:$0x3FAF]  }
0x28: {  	s2 =	sld [smem:$0x3FB0]  }
0x29: {  	s4 =	sld [smem:$0x3FB2]  }
0x2a: {  	p0 =	seq.s32 s5, $0x0;
	s5 =	sld [smem:$0x3FB3]  }
0x2b: {  	s6 =	sld [smem:$0x3FB4]  }
0x2c: {  	s7 =	sld [smem:$0x3FB5]  }
0x2d: {  	s3 =	simm.s32 $0x108;
	s8 =	sld [smem:$0x3FB6]  }
0x2e: {  	s3 =	simm.s32 @!p0 $0x1082;
	s9 =	sld [smem:$0x3FB7]  }
0x2f: {  	lr =	sadd.s32 s0, s3;
	s0 =	sld [smem:$0x3FAE]  }
0x30: {  	s3 =	sld [smem:$0x3FB1]  }
0x31: {  	[smem:$0x3FBA] =	sst s10  }
0x32: {  	s10 =	sld [smem:$0x3FB8];
	_ =	sdelay $0x3  }
0x33: {  	p0 =	seq.s32 s10, $0x1;
	s10 =	sld [smem:$0x3FBA];
	_ =	sdelay $0x3  }
0x34: {  	[smem:$0x3FBA] =	sst s10  }
0x35: {  	s10 =	sld [smem:$0x3FB9];
	_ =	sdelay $0x3  }
0x36: {  	p1 =	seq.s32 s10, $0x1;
	s10 =	sld [smem:$0x3FBA];
	_ =	sdelay $0x3  }
0x37: {  	[smem:$0x3FBA] =	sst s10  }
0x38: {  	s10 =	sld [smem:$0x3FBB]  }
0x39: {  	_ = 	snop;
	(pc) =	sbr.ind lr, $3  }
0x3a: {  	_ = 	snop  }
0x3b: {  	_ = 	snop  }
0x3c: {  	p2 =	seq.s32 s10, $0x1;
	s10 =	sld [smem:$0x3FBA]  }
0x3d: {  	_ =	shalt  }
0x3e: {  	_ =	shalt  }
0x3f: {  	_ =	shalt  }
0x40: {  	_ =	shalt  }
0x41: {  	_ =	shalt  }
0x42: {  	_ =	shalt  }
0x43: {  	_ =	shalt  }
0x44: {  	_ =	shalt  }
0x45: {  	_ =	shalt  }
0x46: {  	_ =	shalt  }
0x47: {  	_ =	shalt  }
0x48: {  	_ =	shalt  }
0x49: {  	_ =	shalt  }
0x4a: {  	_ =	shalt  }
0x4b: {  	_ =	shalt  }
0x4c: {  	_ =	shalt  }
0x4d: {  	_ =	shalt  }
0x4e: {  	_ =	shalt  }
0x4f: {  	_ =	shalt  }
0x50: {  	_ =	shalt  }
0x51: {  	_ =	shalt  }
0x52: {  	_ =	shalt  }
0x53: {  	_ =	shalt  }
0x54: {  	_ =	shalt  }
0x55: {  	_ =	shalt  }
0x56: {  	_ =	shalt  }
0x57: {  	_ =	shalt  }
0x58: {  	_ =	shalt  }
0x59: {  	_ =	shalt  }
0x5a: {  	_ =	shalt  }
0x5b: {  	_ =	shalt  }
0x5c: {  	_ =	shalt  }
0x5d: {  	_ =	shalt  }
0x5e: {  	_ =	shalt  }
0x5f: {  	_ =	shalt  }
0x60: {  	_ =	shalt  }
0x61: {  	_ =	shalt  }
0x62: {  	_ =	shalt  }
0x63: {  	_ =	shalt  }
0x64: {  	_ =	shalt  }
0x65: {  	_ =	shalt  }
0x66: {  	_ =	shalt  }
0x67: {  	_ =	shalt  }
0x68: {  	_ =	shalt  }
0x69: {  	_ =	shalt  }
0x6a: {  	_ =	shalt  }
0x6b: {  	_ =	shalt  }
0x6c: {  	_ =	shalt  }
0x6d: {  	_ =	shalt  }
0x6e: {  	_ =	shalt  }
0x6f: {  	_ =	shalt  }
0x70: {  	_ =	shalt  }
0x71: {  	_ =	shalt  }
0x72: {  	_ =	shalt  }
0x73: {  	_ =	shalt  }
0x74: {  	_ =	shalt  }
0x75: {  	_ =	shalt  }
0x76: {  	_ =	shalt  }
0x77: {  	_ =	shalt  }
0x78: {  	_ =	shalt  }
0x79: {  	_ =	shalt  }
0x7a: {  	_ =	shalt  }
0x7b: {  	_ =	shalt  }
0x7c: {  	_ =	shalt  }
0x7d: {  	_ =	shalt  }
0x7e: {  	_ =	shalt  }
0x7f: {  	_ =	shalt  }
0x80: {  	_ =	shalt  }
0x81: {  	_ =	shalt  }
0x82: {  	_ =	shalt  }
0x83: {  	_ =	shalt  }
0x84: {  	_ =	shalt  }
0x85: {  	_ =	shalt  }
0x86: {  	_ =	shalt  }
0x87: {  	_ =	shalt  }
.Lfunc_end0:
.L_simem_size_0:
called_computation.1_lowered:
.L_overlay_start_0:
0x88: {  	s2 =	sld [smem:$0x3FD9]  }
0x89: {  	s3 =	sld [smem:$0x3FFE];
	_ =	sdelay $0x1  }
0x8a: {  	s1 =	srdreg.scid  }
0x8b: {  	s0 =	sand.u32 $0x1, s1  }
0x8c: {  	s17 =	sshll.u32 s0, $0xA;
	s2 =	sadd.s32 s3, s2  }
0x8d: {  	s2 =	sadd.s32 s2, s17  }
0x8e: {  	[smem:$0x3FC6] =	sst s2  }
0x8f: {  	_ = 	snop  }
0x90: {  	s2 =	sld [smem:$0x3FD0];
	(tm) =	ssettm $0x1  }
0x91: {  	s18 =	sld [smem:$0x3FFB];
	_ =	sdelay $0x3  }
0x92: {  	_ =	strace s18  }
0x93: {  	s3 =	sld [smem:$0x3FFC];
	_ =	sdelay $0x3  }
0x94: {  	_ =	strace s3  }
0x95: {  	s3 =	sld [smem:$0x3FFD];
	_ =	sdelay $0x3  }
0x96: {  	_ =	strace s3  }
0x97: {  	_ =	strace $0x8FFFFFFF  }
0x98: {  	s19 =	sld [smem:$0x3FDB];
	_ =	sdelay $0x1  }
0x99: {  	s4 =	simm.s32 $_scs_section_size  }
0x9a: {  	s5 =	simm.s32 $_size__tile_overlayer_lowered;
	s6 =	simm.s32 $_tile_overlayer_lowered  }
0x9b: {  	s22 =	simm.s32 $0x1BFF;
	s21 =	sshll.u32 s6, $0x1;
	s3 =	sadd.s32 s4, s19  }
0x9c: {  	s7 =	simm.s32 $0x0;
	s20 =	sshll.u32 s5, $0x1;
	s5 =	sadd.s32 s21, s3  }
0x9d: {  	[timem:s7], [sflag:s22] =	dma.local [hbm:s5], s20  }
0x9e: {  	_ =	swait.ge [sflag:s22], s20  }
0x9f: {  	s4 =	ssub.s32 $0x0, s20;
	[sflag:s22] =	ssyncset.done $0x0  }
0xa0: {  	[sflag:s22] =	ssyncadd.s32 s4;
	_ =	sdelay $0x1  }
0xa1: {  	s23 =	simm.s32 $0x1B8B  }
0xa2: {  	_ =	swait.ge [sflag:s23], $0x1  }
0xa3: {  	[sflag:s23] =	ssyncset.done $0x0  }
0xa4: {  	s25 =	simm.s32 $0x1B8E;
	s24 =	sld [smem:$0x3FFE];
	[sflag:s23] =	ssyncadd.s32 $0xFFFFFFFF  }
0xa5: {  	s26 =	simm.s32 $execute0_lowered;
	[smem:$0x3FD2] =	sst s25  }
0xa6: {  	s5 =	sshll.u32 s26, $0x1;
	_ =	strace $0x80000049;
	[dreg:$0x1] =	wrdreg $0xFFFFFFFF  }
0xa7: {  	s28 =	simm.s32 $_size_execute0_lowered;
	s3 =	sadd.s32 s3, s5;
	[dreg:$0x0] =	wrdreg $0x0  }
0xa8: {  	s5 =	sshll.u32 s28, $0x1;
	[dreg:$0x2] =	wrdreg s3  }
0xa9: {  	[dreg:$0x3] =	wrdreg s5  }
0xaa: {  	[dreg:$0x4] =	wrdreg $0xC0  }
0xab: {  	_ =	task [dreg:s7], $0x5FFFF  }
0xac: {  	[dreg:$0x1] =	wrdreg $0xFFFFFFFF  }
0xad: {  	[dreg:$0x0] =	wrdreg $0x60  }
0xae: {  	[dreg:$0x2] =	wrdreg s24  }
0xaf: {  	[dreg:$0x3] =	wrdreg s2  }
0xb0: {  	[dreg:$0x4] =	wrdreg $0x9  }
0xb1: {  	_ =	task.clear_ibuf [dreg:s7], $0x5FFFF;
	_ =	strace $0x90000049  }
0xb2: {  	s29 =	simm.s32 $0x9;
	_ =	strace $0x8000004B  }
0xb3: {  	_ =	swait.ge [sflag:s29], $0x1  }
0xb4: {  	[sflag:s29] =	ssyncadd.s32 $0xFFFFFFFF  }
0xb5: {  	_ =	strace $0x9000004B  }
0xb6: {  	_ =	sfence  }
0xb7: {  	s30 =	sld [smem:$0x0];
	_ =	sdelay $0x2  }
0xb8: {  	s31 =	sshll.u32 s1, $0xD;
	s1 =	sshrl.u32 s1, $0x2  }
0xb9: {  	s3 =	sand.u32 $0x4000, s31;
	s1 =	sadd.s32 s1, s30  }
0xba: {  	s0 =	sor.u32 s3, s0;
	s1 =	sshll.u32 s1, $0x11  }
0xbb: {  	s0 =	sor.u32 s1, s0  }
0xbc: {  	s0 =	sadd.s32 $0x8F2B, s0  }
0xbd: {  	[sflag:s0] =	ssyncadd.remote.s32 $0x1  }
0xbe: {  	_ =	sfence.sel $0xFFFF  }
0xbf: {  	[dreg:$0x0] =	wrdreg $0xFFFFFFFF;
	(pc) =	sbr.abs _section_cstart, $3  }
0xc0: {  	[dreg:$0x1] =	wrdreg $0xFFFFFFFF  }
0xc1: {  	_ =	task.clear_ibuf [dreg:s7], $0x2FFFF;
	_ =	strace $0x9FFFFFFF  }
0xc2: {  	(tm) =	ssettm $0x7FFFFFFF  }
0xc3: {  	_ =	shalt  }
tec
execute0_lowered:
.L_overlay_start_1:
0x0: {  	(tag) =	ssettag $0x1  }
0x1: {  	s1 =	srdreg.scid;
	s2 =	stileid.u32  }
0x2: {  	s1 =	sand.u32 $0x1, s1;
	s3 =	sshll.u32 s2, $0x1  }
0x3: {  	s5 =	sor.u32 s1, s3  }
0x4: {  	s0 =	rddreg [dreg:$0x0];
	s6 =	smul.u32 $0x1A0, s5  }
0x5: {  	s4 =	rddreg [dreg:$0x1];
	s2 =	simm.s32 $0x0;
	s7 =	smul.u32 $0x34000, s5  }
0x6: {  	[smem:$0x7FF] =	sst s2;
	s5 =	smul.u32 $0x6800, s5  }
0x7: {  	s3 =	sadd.s32 $0x27AE200, s0;
	s0 =	sadd.s32 $0x1000, s0;
	s7 =	sshrl.u32 s7, $0x3  }
0x8: {  	s4 =	sadd.s32 s4, s6;
	s5 =	sadd.s32 s0, s5;
	s0 =	sadd.s32 s0, s7  }
0x9: {  	_ =	strace $0x8000004A;
	[dreg:$0x3] =	wrdreg s4;
	s14 =	sadd.s32 $0x800, s0  }
0xa: {  	s9 =	simm.s32 $0x2;
	s15 =	sadd.s32 $0xC00, s0;
	[dreg:$0x4] =	wrdreg s14  }
0xb: {  	s10 =	simm.s32 $0x0;
	s16 =	sadd.s32 $0x1000, s0;
	[dreg:$0x5] =	wrdreg s15  }
0xc: {  	s1 =	ssub.s32 $0x2, s1;
	s17 =	sadd.s32 $0x1400, s0;
	[dreg:$0x6] =	wrdreg s16  }
0xd: {  	s8 =	sshrl.u32 s1, $0x1;
	s18 =	sadd.s32 $0x1800, s0;
	[dreg:$0x7] =	wrdreg s17  }
0xe: {  	s1 =	ssub.s32 s1, s8;
	s19 =	sadd.s32 $0x1C00, s0;
	[dreg:$0x8] =	wrdreg s18  }
0xf: {  	s8 =	simm.s32 $0x1;
	s20 =	sadd.s32 $0x2000, s0;
	[dreg:$0x9] =	wrdreg s19  }
0x10: {  	s31 =	smax.u32 s1, $0x1;
	s21 =	sadd.s32 $0x2400, s0;
	[dreg:$0xa] =	wrdreg s20  }
0x11: {  	s6 =	simm.s32 $0xD00;
	s22 =	sadd.s32 $0x2800, s0;
	[dreg:$0xb] =	wrdreg s21  }
0x12: {  	s1 =	sadd.s32 $0x400, s5;
	s23 =	sadd.s32 $0x2C00, s0;
	[dreg:$0xc] =	wrdreg s22  }
0x13: {  	s4 =	simm.s32 $0x80;
	s24 =	sadd.s32 $0x3000, s0;
	[dreg:$0xd] =	wrdreg s23  }
0x14: {  	s7 =	simm.s32 $0x2D00;
	s25 =	sadd.s32 $0x3400, s0;
	[dreg:$0xe] =	wrdreg s24  }
0x15: {  	s26 =	sadd.s32 $0x3800, s0;
	s28 =	sadd.s32 $0x5C00, s0;
	[dreg:$0xf] =	wrdreg s25  }
0x16: {  	s29 =	sadd.s32 $0x6000, s0;
	s30 =	sadd.s32 $0x6400, s0;
	[dreg:$0x10] =	wrdreg s26  }
0x17: {  	s19 =	sadd.s32 $0x3C00, s0;
	s20 =	sadd.s32 $0x4000, s0;
	s21 =	sadd.s32 $0x4400, s0  }
0x18: {  	s22 =	sadd.s32 $0x4800, s0;
	s23 =	sadd.s32 $0x4C00, s0;
	s24 =	sadd.s32 $0x5000, s0  }
0x19: {  	v0 =	vlaneseq.u32;
	s25 =	sadd.s32 $0x5400, s0;
	s26 =	sadd.s32 $0x5800, s0;
	s0 =	simm.s32 $0x3  }
.LBB2_1:
0x1a: {  	s11 =	simm.s32 $0x0  }
0x1b: {  	s12 =	simm.s32 $0x20;
	v2 =	vor.u32 s11, v0  }
0x1c: {  	s13 =	simm.s32 $0x10;
	v3 =	vor.u32 s12, v0;
	v4 =	vmulhi.u32 $0x4EC4EC4F, v2  }
0x1d: {  	s15 =	simm.s32 $0x40;
	v5 =	vor.u32 s13, v0;
	v6 =	vmulhi.u32 $0x4EC4EC4F, v3  }
0x1e: {  	s14 =	simm.s32 $0x30;
	v9 =	vor.u32 s15, v0;
	v8 =	vmulhi.u32 $0x4EC4EC4F, v5  }
0x1f: {  	s18 =	simm.s32 $0x70;
	v7 =	vor.u32 s14, v0;
	v10 =	vmulhi.u32 $0x4EC4EC4F, v9  }
0x20: {  	s16 =	simm.s32 $0x60;
	s17 =	rddreg [dreg:$0x3];
	s13 =	simm.s32 $0x50;
	v13 =	vor.u32 s18, v0;
	v12 =	vmulhi.u32 $0x4EC4EC4F, v7  }
0x21: {  	[tilespmem:s2], [sflag:$0x3] =	stream.linear.gather [hbm4b:s17+s2], $0xD00, $0x38;
	v1 =	vor.u32 s16, v0;
	v11 =	vor.u32 s13, v0;
	v14 =	vmulhi.u32 $0x4EC4EC4F, v13;
	[tilespmem:$0x4D00] =	vst v63  }
0x22: {  	_ =	swait.ge [sflag:s0], $0xD00;
	v15 =	vmulhi.u32 $0x4EC4EC4F, v11;
	v6 =	vshrl.u32 v6, $0x3;
	v8 =	vshrl.u32 v8, $0x3  }
0x23: {  	[sflag:s0] =	ssyncset.done $0x0;
	v10 =	vshrl.u32 v10, $0x3;
	v12 =	vshrl.u32 v12, $0x3;
	v4 =	vshrl.u32 v4, $0x3  }
0x24: {  	s11 =	simm.s32 $0x40;
	[sflag:s0] =	ssyncadd.s32 $0xFFFFF300;
	v6 =	vmul.u32 $0x1A, v6;
	v12 =	vmul.u32 $0x1A, v12;
	v4 =	vmul.u32 $0x1A, v4  }
0x25: {  	v16 =	vld [tilespmem:s11+$0xFFFFFFC0];
	v8 =	vmul.u32 $0x1A, v8;
	v17 =	vmul.u32 $0x1A, v10;
	v10 =	vshrl.u32 v14, $0x3  }
0x26: {  	v62 =	vld [tilespmem:s11+$0x30];
	v12 =	vsub.s32 v7, v12;
	v7 =	vmul.u32 $0x1A, v10;
	v2 =	vsub.s32 v2, v4  }
0x27: {  	v4 =	vshrl.u32 v15, $0x3;
	v5 =	vsub.s32 v5, v8;
	v6 =	vsub.s32 v3, v6  }
0x28: {  	v8 =	vmulhi.u32 $0x4EC4EC4F, v1;
	v2 =	vmul.u32 $0x186A1, v2;
	v3 =	vsub.s32 v13, v7;
	v7 =	vld [tilespmem:s11+$0xFFFFFFF0]  }
0x29: {  	v9 =	vsub.s32 v9, v17;
	v4 =	vmul.u32 $0x1A, v4;
	v13 =	vmul.u32 $0x186A1, v3  }
0x2a: {  	v10 =	vmul.u32 $0x186A1, v12;
	v8 =	vshrl.u32 v8, $0x3;
	v63 =	vadd.s32 v2, v16;
	v3 =	vld [tilespmem:s11+$0x0]  }
0x2b: {  	s12 =	simm.s32 $0xF0;
	s13 =	simm.s32 $0xC0;
	v2 =	vmul.u32 $0x186A1, v5;
	v5 =	vld [tilespmem:s11+$0xFFFFFFE0];
	v4 =	vsub.s32 v11, v4;
	[tilespmem:s11+$0xFFFFFFC0] =	vst v63;
	v11 =	vadd.s32 v13, v62  }
.LBB2_2:
0x2c: {  	s14 =	sadd.s32 $0xFFFFFF90, s12  }
0x2d: {  	s15 =	sadd.s32 $0xFFFFFFA0, s12;
	s16 =	sadd.s32 $0xFFFFFFB0, s12;
	v6 =	vmul.u32 $0x186A1, v6;
	v7 =	vadd.s32 v10, v7;
	v8 =	vmul.u32 $0x1A, v8;
	[tilespmem:s11+$0x30] =	vst v11;
	s17 =	smov.u32 s12  }
0x2e: {  	s18 =	sadd.s32 $0xFFFFFFE0, s12;
	v10 =	vor.u32 s14, v0;
	v11 =	vor.u32 s15, v0;
	s14 =	sadd.s32 $0xFFFFFFC0, s12;
	s15 =	sadd.s32 $0xFFFFFFD0, s12;
	v12 =	vld [tilespmem:s11+$0xFFFFFFD0];
	[tilespmem:s11+$0xFFFFFFF0] =	vst v7;
	v7 =	vmul.u32 $0x186A1, v9  }
0x2f: {  	p0 =	sne.s32 s12, $0xCF0;
	s12 =	sadd.s32 $0x80, s12;
	v9 =	vor.u32 s14, v0;
	v13 =	vor.u32 s15, v0;
	s14 =	sadd.s32 $0xFFFFFFF0, s17;
	v8 =	vsub.s32 v1, v8;
	v14 =	vld [tilespmem:s11+$0x20]  }
0x30: {  	v15 =	vor.u32 s16, v0;
	v16 =	vor.u32 s18, v0;
	v1 =	vor.u32 s14, v0  }
0x31: {  	v17 =	vmulhi.u32 $0x4EC4EC4F, v10;
	v3 =	vadd.s32 v7, v3;
	v5 =	vadd.s32 v6, v5  }
0x32: {  	v7 =	vmul.u32 $0x186A1, v8;
	v6 =	vmulhi.u32 $0x4EC4EC4F, v15;
	[tilespmem:s11+$0x0] =	vst v3;
	v3 =	vmul.u32 $0x186A1, v4;
	v4 =	vld [tilespmem:s11+$0x10]  }
0x33: {  	v8 =	vmulhi.u32 $0x4EC4EC4F, v11;
	v2 =	vadd.s32 v2, v12;
	[tilespmem:s11+$0xFFFFFFE0] =	vst v5  }
0x34: {  	v5 =	vshrl.u32 v6, $0x3;
	v6 =	vmulhi.u32 $0x4EC4EC4F, v13;
	[tilespmem:s11+$0xFFFFFFD0] =	vst v2;
	v2 =	vadd.s32 v7, v14  }
0x35: {  	v7 =	vshrl.u32 v8, $0x3;
	v5 =	vmul.u32 $0x1A, v5;
	v8 =	vmulhi.u32 $0x4EC4EC4F, v9;
	[tilespmem:s11+$0x20] =	vst v2  }
0x36: {  	v12 =	vor.u32 s17, v0;
	v2 =	vshrl.u32 v6, $0x3;
	v6 =	vmulhi.u32 $0x4EC4EC4F, v16  }
0x37: {  	v14 =	vmulhi.u32 $0x4EC4EC4F, v12;
	v7 =	vmul.u32 $0x1A, v7;
	v8 =	vshrl.u32 v8, $0x3  }
0x38: {  	v17 =	vshrl.u32 v17, $0x3;
	v8 =	vmul.u32 $0x1A, v8;
	v3 =	vadd.s32 v3, v4  }
0x39: {  	v18 =	vmul.u32 $0x1A, v2;
	v2 =	vshrl.u32 v14, $0x3;
	v4 =	vmul.u32 $0x1A, v17;
	v17 =	vld [tilespmem:s13+$0xFFFFFFC0];
	[tilespmem:s11+$0x10] =	vst v3;
	s11 =	smov.u32 s13  }
0x3a: {  	v2 =	vmul.u32 $0x1A, v2;
	v3 =	vsub.s32 v9, v8;
	v8 =	vshrl.u32 v6, $0x3;
	v14 =	vld [tilespmem:s13+$0x30]  }
.Ltmp0:
0x3b: {  	v4 =	vsub.s32 v10, v4;
	v9 =	vsub.s32 v11, v7;
	v6 =	vsub.s32 v15, v5;
	v7 =	vld [tilespmem:s13+$0xFFFFFFF0];
	(pc) =	sbr.rel @p0 .LBB2_2-.Ltmp0, $4  }
0x3c: {  	v5 =	vmulhi.u32 $0x4EC4EC4F, v1;
	v10 =	vsub.s32 v12, v2;
	v4 =	vmul.u32 $0x186A1, v4  }
0x3d: {  	v2 =	vmul.u32 $0x186A1, v9;
	v11 =	vmul.u32 $0x1A, v8;
	v12 =	vmul.u32 $0x186A1, v10  }
0x3e: {  	v10 =	vmul.u32 $0x186A1, v3;
	v8 =	vshrl.u32 v5, $0x3;
	v4 =	vadd.s32 v4, v17;
	v3 =	vld [tilespmem:s13+$0x0]  }
0x3f: {  	v9 =	vsub.s32 v13, v18;
	s13 =	sadd.s32 $0x80, s13;
	[tilespmem:s11+$0xFFFFFFC0] =	vst v4;
	v5 =	vld [tilespmem:s11+$0xFFFFFFE0];
	v4 =	vsub.s32 v16, v11;
	v11 =	vadd.s32 v12, v14  }
0x40: {  	v61 =	vld [tilespmem:s11+$0xFFFFFFD0]  }
0x41: {  	v62 =	vld [tilespmem:s11+$0x20];
	v8 =	vmul.u32 $0x1A, v8  }
0x42: {  	v9 =	vmul.u32 $0x186A1, v9  }
0x43: {  	v7 =	vadd.s32 v10, v7;
	[tilespmem:s11+$0x30] =	vst v11;
	v63 =	vld [tilespmem:s11+$0x10];
	v1 =	vsub.s32 v1, v8  }
0x44: {  	[tilespmem:s11+$0xFFFFFFF0] =	vst v7;
	v3 =	vadd.s32 v9, v3;
	v1 =	vmul.u32 $0x186A1, v1  }
0x45: {  	[tilespmem:s11+$0x0] =	vst v3;
	v3 =	vmul.u32 $0x186A1, v6;
	v2 =	vadd.s32 v2, v61  }
0x46: {  	v4 =	vmul.u32 $0x186A1, v4;
	v1 =	vadd.s32 v1, v62;
	[tilespmem:s11+$0xFFFFFFD0] =	vst v2  }
0x47: {  	v3 =	vadd.s32 v3, v5;
	[tilespmem:s11+$0x20] =	vst v1  }
0x48: {  	v1 =	vadd.s32 v4, v63;
	[tilespmem:s11+$0xFFFFFFE0] =	vst v3  }
0x49: {  	[tilespmem:s11+$0x10] =	vst v1  }
0x4a: {  	[tilespmem:s6], [sflag:$0x1] =	stream.indirect.gather [hbm4b:s3+s4], $0x40, s2, s4, $0xb8;
	[tilespmem:$0x4D00] =	vst v63  }
0x4b: {  	_ = 	snop  }
0x4c: {  	[tilespmem:s7], [sflag:$0x2] =	stream.indirect.gather [hbm4b:s3+s4], $0x40, s4, s4, $0xb8;
	[tilespmem:$0x4D00] =	vst v63  }
0x4d: {  	_ =	swait.ge [sflag:s8], $0x2000  }
0x4e: {  	[sflag:s8] =	ssyncset.done $0x0  }
0x4f: {  	[sflag:s8] =	ssyncadd.s32 $0xFFFFE000  }
0x50: {  	[hbm4b:s5+s2] =	stream.linear.scatter [tilespmem:s6], [sflag:$0x3], $0x2000, $0x38;
	[tilespmem:$0x4D00] =	vst v63  }
0x51: {  	_ =	swait.ge [sflag:s0], $0x2000  }
0x52: {  	[sflag:s0] =	ssyncset.done $0x0  }
0x53: {  	s17 =	simm.s32 $0x100;
	[sflag:s0] =	ssyncadd.s32 $0xFFFFE000  }
0x54: {  	[tilespmem:s6], [sflag:$0x1] =	stream.indirect.gather [hbm4b:s3+s4], $0x40, s17, s4, $0xb8;
	[tilespmem:$0x4D00] =	vst v63  }
0x55: {  	_ =	swait.ge [sflag:s9], $0x2000  }
0x56: {  	[sflag:s9] =	ssyncset.done $0x0  }
0x57: {  	[sflag:s9] =	ssyncadd.s32 $0xFFFFE000  }
0x58: {  	[hbm4b:s1+s2] =	stream.linear.scatter [tilespmem:s7], [sflag:$0x3], $0x2000, $0x38;
	[tilespmem:$0x4D00] =	vst v63  }
0x59: {  	_ =	swait.ge [sflag:s0], $0x2000  }
0x5a: {  	[sflag:s0] =	ssyncset.done $0x0  }
0x5b: {  	s18 =	simm.s32 $0x180;
	[sflag:s0] =	ssyncadd.s32 $0xFFFFE000  }
0x5c: {  	[tilespmem:s7], [sflag:$0x2] =	stream.indirect.gather [hbm4b:s3+s4], $0x40, s18, s4, $0xb8;
	[tilespmem:$0x4D00] =	vst v63  }
0x5d: {  	_ =	swait.ge [sflag:s8], $0x2000  }
0x5e: {  	[sflag:s8] =	ssyncset.done $0x0  }
0x5f: {  	s12 =	rddreg [dreg:$0x4];
	[sflag:s8] =	ssyncadd.s32 $0xFFFFE000  }
0x60: {  	[hbm4b:s12+s2] =	stream.linear.scatter [tilespmem:s6], [sflag:$0x3], $0x2000, $0x38;
	[tilespmem:$0x4D00] =	vst v63  }
0x61: {  	_ =	swait.ge [sflag:s0], $0x2000  }
0x62: {  	[sflag:s0] =	ssyncset.done $0x0  }
0x63: {  	s13 =	simm.s32 $0x200;
	[sflag:s0] =	ssyncadd.s32 $0xFFFFE000  }
0x64: {  	[tilespmem:s6], [sflag:$0x1] =	stream.indirect.gather [hbm4b:s3+s4], $0x40, s13, s4, $0xb8;
	[tilespmem:$0x4D00] =	vst v63  }
0x65: {  	_ =	swait.ge [sflag:s9], $0x2000  }
0x66: {  	[sflag:s9] =	ssyncset.done $0x0  }
0x67: {  	s14 =	rddreg [dreg:$0x5];
	[sflag:s9] =	ssyncadd.s32 $0xFFFFE000  }
0x68: {  	[hbm4b:s14+s2] =	stream.linear.scatter [tilespmem:s7], [sflag:$0x3], $0x2000, $0x38;
	[tilespmem:$0x4D00] =	vst v63  }
0x69: {  	_ =	swait.ge [sflag:s0], $0x2000  }
0x6a: {  	[sflag:s0] =	ssyncset.done $0x0  }
0x6b: {  	s15 =	simm.s32 $0x280;
	[sflag:s0] =	ssyncadd.s32 $0xFFFFE000  }
0x6c: {  	[tilespmem:s7], [sflag:$0x2] =	stream.indirect.gather [hbm4b:s3+s4], $0x40, s15, s4, $0xb8;
	[tilespmem:$0x4D00] =	vst v63  }
0x6d: {  	_ =	swait.ge [sflag:s8], $0x2000  }
0x6e: {  	[sflag:s8] =	ssyncset.done $0x0  }
0x6f: {  	s16 =	rddreg [dreg:$0x6];
	[sflag:s8] =	ssyncadd.s32 $0xFFFFE000  }
0x70: {  	[hbm4b:s16+s2] =	stream.linear.scatter [tilespmem:s6], [sflag:$0x3], $0x2000, $0x38;
	[tilespmem:$0x4D00] =	vst v63  }
0x71: {  	_ =	swait.ge [sflag:s0], $0x2000  }
0x72: {  	[sflag:s0] =	ssyncset.done $0x0  }
0x73: {  	s17 =	simm.s32 $0x300;
	[sflag:s0] =	ssyncadd.s32 $0xFFFFE000  }
0x74: {  	[tilespmem:s6], [sflag:$0x1] =	stream.indirect.gather [hbm4b:s3+s4], $0x40, s17, s4, $0xb8;
	[tilespmem:$0x4D00] =	vst v63  }
0x75: {  	_ =	swait.ge [sflag:s9], $0x2000  }
0x76: {  	[sflag:s9] =	ssyncset.done $0x0  }
0x77: {  	s18 =	rddreg [dreg:$0x7];
	[sflag:s9] =	ssyncadd.s32 $0xFFFFE000  }
0x78: {  	[hbm4b:s18+s2] =	stream.linear.scatter [tilespmem:s7], [sflag:$0x3], $0x2000, $0x38;
	[tilespmem:$0x4D00] =	vst v63  }
0x79: {  	_ =	swait.ge [sflag:s0], $0x2000  }
0x7a: {  	[sflag:s0] =	ssyncset.done $0x0  }
0x7b: {  	s12 =	simm.s32 $0x380;
	[sflag:s0] =	ssyncadd.s32 $0xFFFFE000  }
0x7c: {  	[tilespmem:s7], [sflag:$0x2] =	stream.indirect.gather [hbm4b:s3+s4], $0x40, s12, s4, $0xb8;
	[tilespmem:$0x4D00] =	vst v63  }
0x7d: {  	_ =	swait.ge [sflag:s8], $0x2000  }
0x7e: {  	[sflag:s8] =	ssyncset.done $0x0  }
0x7f: {  	s13 =	rddreg [dreg:$0x8];
	[sflag:s8] =	ssyncadd.s32 $0xFFFFE000  }
0x80: {  	[hbm4b:s13+s2] =	stream.linear.scatter [tilespmem:s6], [sflag:$0x3], $0x2000, $0x38;
	[tilespmem:$0x4D00] =	vst v63  }
0x81: {  	_ =	swait.ge [sflag:s0], $0x2000  }
0x82: {  	[sflag:s0] =	ssyncset.done $0x0  }
0x83: {  	s14 =	simm.s32 $0x400;
	[sflag:s0] =	ssyncadd.s32 $0xFFFFE000  }
0x84: {  	[tilespmem:s6], [sflag:$0x1] =	stream.indirect.gather [hbm4b:s3+s4], $0x40, s14, s4, $0xb8;
	[tilespmem:$0x4D00] =	vst v63  }
0x85: {  	_ =	swait.ge [sflag:s9], $0x2000  }
0x86: {  	[sflag:s9] =	ssyncset.done $0x0  }
0x87: {  	s15 =	rddreg [dreg:$0x9];
	[sflag:s9] =	ssyncadd.s32 $0xFFFFE000  }
0x88: {  	[hbm4b:s15+s2] =	stream.linear.scatter [tilespmem:s7], [sflag:$0x3], $0x2000, $0x38;
	[tilespmem:$0x4D00] =	vst v63  }
0x89: {  	_ =	swait.ge [sflag:s0], $0x2000  }
0x8a: {  	[sflag:s0] =	ssyncset.done $0x0  }
0x8b: {  	s16 =	simm.s32 $0x480;
	[sflag:s0] =	ssyncadd.s32 $0xFFFFE000  }
0x8c: {  	[tilespmem:s7], [sflag:$0x2] =	stream.indirect.gather [hbm4b:s3+s4], $0x40, s16, s4, $0xb8;
	[tilespmem:$0x4D00] =	vst v63  }
0x8d: {  	_ =	swait.ge [sflag:s8], $0x2000  }
0x8e: {  	[sflag:s8] =	ssyncset.done $0x0  }
0x8f: {  	s17 =	rddreg [dreg:$0xa];
	[sflag:s8] =	ssyncadd.s32 $0xFFFFE000  }
0x90: {  	[hbm4b:s17+s2] =	stream.linear.scatter [tilespmem:s6], [sflag:$0x3], $0x2000, $0x38;
	[tilespmem:$0x4D00] =	vst v63  }
0x91: {  	_ =	swait.ge [sflag:s0], $0x2000  }
0x92: {  	[sflag:s0] =	ssyncset.done $0x0  }
0x93: {  	s18 =	simm.s32 $0x500;
	[sflag:s0] =	ssyncadd.s32 $0xFFFFE000  }
0x94: {  	[tilespmem:s6], [sflag:$0x1] =	stream.indirect.gather [hbm4b:s3+s4], $0x40, s18, s4, $0xb8;
	[tilespmem:$0x4D00] =	vst v63  }
0x95: {  	_ =	swait.ge [sflag:s9], $0x2000  }
0x96: {  	[sflag:s9] =	ssyncset.done $0x0  }
0x97: {  	s12 =	rddreg [dreg:$0xb];
	[sflag:s9] =	ssyncadd.s32 $0xFFFFE000  }
0x98: {  	[hbm4b:s12+s2] =	stream.linear.scatter [tilespmem:s7], [sflag:$0x3], $0x2000, $0x38;
	[tilespmem:$0x4D00] =	vst v63  }
0x99: {  	_ =	swait.ge [sflag:s0], $0x2000  }
0x9a: {  	[sflag:s0] =	ssyncset.done $0x0  }
0x9b: {  	s13 =	simm.s32 $0x580;
	[sflag:s0] =	ssyncadd.s32 $0xFFFFE000  }
0x9c: {  	[tilespmem:s7], [sflag:$0x2] =	stream.indirect.gather [hbm4b:s3+s4], $0x40, s13, s4, $0xb8;
	[tilespmem:$0x4D00] =	vst v63  }
0x9d: {  	_ =	swait.ge [sflag:s8], $0x2000  }
0x9e: {  	[sflag:s8] =	ssyncset.done $0x0  }
0x9f: {  	s14 =	rddreg [dreg:$0xc];
	[sflag:s8] =	ssyncadd.s32 $0xFFFFE000  }
0xa0: {  	[hbm4b:s14+s2] =	stream.linear.scatter [tilespmem:s6], [sflag:$0x3], $0x2000, $0x38;
	[tilespmem:$0x4D00] =	vst v63  }
0xa1: {  	_ =	swait.ge [sflag:s0], $0x2000  }
0xa2: {  	[sflag:s0] =	ssyncset.done $0x0  }
0xa3: {  	s15 =	simm.s32 $0x600;
	[sflag:s0] =	ssyncadd.s32 $0xFFFFE000  }
0xa4: {  	[tilespmem:s6], [sflag:$0x1] =	stream.indirect.gather [hbm4b:s3+s4], $0x40, s15, s4, $0xb8;
	[tilespmem:$0x4D00] =	vst v63  }
0xa5: {  	_ =	swait.ge [sflag:s9], $0x2000  }
0xa6: {  	[sflag:s9] =	ssyncset.done $0x0  }
0xa7: {  	s16 =	rddreg [dreg:$0xd];
	[sflag:s9] =	ssyncadd.s32 $0xFFFFE000  }
0xa8: {  	[hbm4b:s16+s2] =	stream.linear.scatter [tilespmem:s7], [sflag:$0x3], $0x2000, $0x38;
	[tilespmem:$0x4D00] =	vst v63  }
0xa9: {  	_ =	swait.ge [sflag:s0], $0x2000  }
0xaa: {  	[sflag:s0] =	ssyncset.done $0x0  }
0xab: {  	s17 =	simm.s32 $0x680;
	[sflag:s0] =	ssyncadd.s32 $0xFFFFE000  }
0xac: {  	[tilespmem:s7], [sflag:$0x2] =	stream.indirect.gather [hbm4b:s3+s4], $0x40, s17, s4, $0xb8;
	[tilespmem:$0x4D00] =	vst v63  }
0xad: {  	_ =	swait.ge [sflag:s8], $0x2000  }
0xae: {  	[sflag:s8] =	ssyncset.done $0x0  }
0xaf: {  	s18 =	rddreg [dreg:$0xe];
	[sflag:s8] =	ssyncadd.s32 $0xFFFFE000  }
0xb0: {  	[hbm4b:s18+s2] =	stream.linear.scatter [tilespmem:s6], [sflag:$0x3], $0x2000, $0x38;
	[tilespmem:$0x4D00] =	vst v63  }
0xb1: {  	_ =	swait.ge [sflag:s0], $0x2000  }
0xb2: {  	[sflag:s0] =	ssyncset.done $0x0  }
0xb3: {  	s12 =	simm.s32 $0x700;
	[sflag:s0] =	ssyncadd.s32 $0xFFFFE000  }
0xb4: {  	[tilespmem:s6], [sflag:$0x1] =	stream.indirect.gather [hbm4b:s3+s4], $0x40, s12, s4, $0xb8;
	[tilespmem:$0x4D00] =	vst v63  }
0xb5: {  	_ =	swait.ge [sflag:s9], $0x2000  }
0xb6: {  	[sflag:s9] =	ssyncset.done $0x0  }
0xb7: {  	s13 =	rddreg [dreg:$0xf];
	[sflag:s9] =	ssyncadd.s32 $0xFFFFE000  }
0xb8: {  	[hbm4b:s13+s2] =	stream.linear.scatter [tilespmem:s7], [sflag:$0x3], $0x2000, $0x38;
	[tilespmem:$0x4D00] =	vst v63  }
0xb9: {  	_ =	swait.ge [sflag:s0], $0x2000  }
0xba: {  	[sflag:s0] =	ssyncset.done $0x0  }
0xbb: {  	s14 =	simm.s32 $0x780;
	[sflag:s0] =	ssyncadd.s32 $0xFFFFE000  }
0xbc: {  	[tilespmem:s7], [sflag:$0x2] =	stream.indirect.gather [hbm4b:s3+s4], $0x40, s14, s4, $0xb8;
	[tilespmem:$0x4D00] =	vst v63  }
0xbd: {  	_ =	swait.ge [sflag:s8], $0x2000  }
0xbe: {  	[sflag:s8] =	ssyncset.done $0x0  }
0xbf: {  	s15 =	rddreg [dreg:$0x10];
	[sflag:s8] =	ssyncadd.s32 $0xFFFFE000  }
0xc0: {  	[hbm4b:s15+s2] =	stream.linear.scatter [tilespmem:s6], [sflag:$0x3], $0x2000, $0x38;
	[tilespmem:$0x4D00] =	vst v63  }
0xc1: {  	_ =	swait.ge [sflag:s0], $0x2000  }
0xc2: {  	[sflag:s0] =	ssyncset.done $0x0  }
0xc3: {  	s16 =	simm.s32 $0x800;
	[sflag:s0] =	ssyncadd.s32 $0xFFFFE000  }
0xc4: {  	[tilespmem:s6], [sflag:$0x1] =	stream.indirect.gather [hbm4b:s3+s4], $0x40, s16, s4, $0xb8;
	[tilespmem:$0x4D00] =	vst v63  }
0xc5: {  	_ =	swait.ge [sflag:s9], $0x2000  }
0xc6: {  	[sflag:s9] =	ssyncset.done $0x0  }
0xc7: {  	[sflag:s9] =	ssyncadd.s32 $0xFFFFE000  }
0xc8: {  	[hbm4b:s19+s2] =	stream.linear.scatter [tilespmem:s7], [sflag:$0x3], $0x2000, $0x38;
	[tilespmem:$0x4D00] =	vst v63  }
0xc9: {  	_ =	swait.ge [sflag:s0], $0x2000  }
0xca: {  	[sflag:s0] =	ssyncset.done $0x0  }
0xcb: {  	s17 =	simm.s32 $0x880;
	[sflag:s0] =	ssyncadd.s32 $0xFFFFE000  }
0xcc: {  	[tilespmem:s7], [sflag:$0x2] =	stream.indirect.gather [hbm4b:s3+s4], $0x40, s17, s4, $0xb8;
	[tilespmem:$0x4D00] =	vst v63  }
0xcd: {  	_ =	swait.ge [sflag:s8], $0x2000  }
0xce: {  	[sflag:s8] =	ssyncset.done $0x0  }
0xcf: {  	[sflag:s8] =	ssyncadd.s32 $0xFFFFE000  }
0xd0: {  	[hbm4b:s20+s2] =	stream.linear.scatter [tilespmem:s6], [sflag:$0x3], $0x2000, $0x38;
	[tilespmem:$0x4D00] =	vst v63  }
0xd1: {  	_ =	swait.ge [sflag:s0], $0x2000  }
0xd2: {  	[sflag:s0] =	ssyncset.done $0x0  }
0xd3: {  	s18 =	simm.s32 $0x900;
	[sflag:s0] =	ssyncadd.s32 $0xFFFFE000  }
0xd4: {  	[tilespmem:s6], [sflag:$0x1] =	stream.indirect.gather [hbm4b:s3+s4], $0x40, s18, s4, $0xb8;
	[tilespmem:$0x4D00] =	vst v63  }
0xd5: {  	_ =	swait.ge [sflag:s9], $0x2000  }
0xd6: {  	[sflag:s9] =	ssyncset.done $0x0  }
0xd7: {  	[sflag:s9] =	ssyncadd.s32 $0xFFFFE000  }
0xd8: {  	[hbm4b:s21+s2] =	stream.linear.scatter [tilespmem:s7], [sflag:$0x3], $0x2000, $0x38;
	[tilespmem:$0x4D00] =	vst v63  }
0xd9: {  	_ =	swait.ge [sflag:s0], $0x2000  }
0xda: {  	[sflag:s0] =	ssyncset.done $0x0  }
0xdb: {  	s12 =	simm.s32 $0x980;
	[sflag:s0] =	ssyncadd.s32 $0xFFFFE000  }
0xdc: {  	[tilespmem:s7], [sflag:$0x2] =	stream.indirect.gather [hbm4b:s3+s4], $0x40, s12, s4, $0xb8;
	[tilespmem:$0x4D00] =	vst v63  }
0xdd: {  	_ =	swait.ge [sflag:s8], $0x2000  }
0xde: {  	[sflag:s8] =	ssyncset.done $0x0  }
0xdf: {  	[sflag:s8] =	ssyncadd.s32 $0xFFFFE000  }
0xe0: {  	[hbm4b:s22+s2] =	stream.linear.scatter [tilespmem:s6], [sflag:$0x3], $0x2000, $0x38;
	[tilespmem:$0x4D00] =	vst v63  }
0xe1: {  	_ =	swait.ge [sflag:s0], $0x2000  }
0xe2: {  	[sflag:s0] =	ssyncset.done $0x0  }
0xe3: {  	s13 =	simm.s32 $0xA00;
	[sflag:s0] =	ssyncadd.s32 $0xFFFFE000  }
0xe4: {  	[tilespmem:s6], [sflag:$0x1] =	stream.indirect.gather [hbm4b:s3+s4], $0x40, s13, s4, $0xb8;
	[tilespmem:$0x4D00] =	vst v63  }
0xe5: {  	_ =	swait.ge [sflag:s9], $0x2000  }
0xe6: {  	[sflag:s9] =	ssyncset.done $0x0  }
0xe7: {  	[sflag:s9] =	ssyncadd.s32 $0xFFFFE000  }
0xe8: {  	[hbm4b:s23+s2] =	stream.linear.scatter [tilespmem:s7], [sflag:$0x3], $0x2000, $0x38;
	[tilespmem:$0x4D00] =	vst v63  }
0xe9: {  	_ =	swait.ge [sflag:s0], $0x2000  }
0xea: {  	[sflag:s0] =	ssyncset.done $0x0  }
0xeb: {  	s14 =	simm.s32 $0xA80;
	[sflag:s0] =	ssyncadd.s32 $0xFFFFE000  }
0xec: {  	[tilespmem:s7], [sflag:$0x2] =	stream.indirect.gather [hbm4b:s3+s4], $0x40, s14, s4, $0xb8;
	[tilespmem:$0x4D00] =	vst v63  }
0xed: {  	_ =	swait.ge [sflag:s8], $0x2000  }
0xee: {  	[sflag:s8] =	ssyncset.done $0x0  }
0xef: {  	[sflag:s8] =	ssyncadd.s32 $0xFFFFE000  }
0xf0: {  	[hbm4b:s24+s2] =	stream.linear.scatter [tilespmem:s6], [sflag:$0x3], $0x2000, $0x38;
	[tilespmem:$0x4D00] =	vst v63  }
0xf1: {  	_ =	swait.ge [sflag:s0], $0x2000  }
0xf2: {  	[sflag:s0] =	ssyncset.done $0x0  }
0xf3: {  	s15 =	simm.s32 $0xB00;
	[sflag:s0] =	ssyncadd.s32 $0xFFFFE000  }
0xf4: {  	[tilespmem:s6], [sflag:$0x1] =	stream.indirect.gather [hbm4b:s3+s4], $0x40, s15, s4, $0xb8;
	[tilespmem:$0x4D00] =	vst v63  }
0xf5: {  	_ =	swait.ge [sflag:s9], $0x2000  }
0xf6: {  	[sflag:s9] =	ssyncset.done $0x0  }
0xf7: {  	[sflag:s9] =	ssyncadd.s32 $0xFFFFE000  }
0xf8: {  	[hbm4b:s25+s2] =	stream.linear.scatter [tilespmem:s7], [sflag:$0x3], $0x2000, $0x38;
	[tilespmem:$0x4D00] =	vst v63  }
0xf9: {  	_ =	swait.ge [sflag:s0], $0x2000  }
0xfa: {  	[sflag:s0] =	ssyncset.done $0x0  }
0xfb: {  	s16 =	simm.s32 $0xB80;
	[sflag:s0] =	ssyncadd.s32 $0xFFFFE000  }
0xfc: {  	[tilespmem:s7], [sflag:$0x2] =	stream.indirect.gather [hbm4b:s3+s4], $0x40, s16, s4, $0xb8;
	[tilespmem:$0x4D00] =	vst v63  }
0xfd: {  	_ =	swait.ge [sflag:s8], $0x2000  }
0xfe: {  	[sflag:s8] =	ssyncset.done $0x0  }
0xff: {  	[sflag:s8] =	ssyncadd.s32 $0xFFFFE000  }
0x100: {  	[hbm4b:s26+s2] =	stream.linear.scatter [tilespmem:s6], [sflag:$0x3], $0x2000, $0x38;
	[tilespmem:$0x4D00] =	vst v63  }
0x101: {  	_ =	swait.ge [sflag:s0], $0x2000  }
0x102: {  	[sflag:s0] =	ssyncset.done $0x0  }
0x103: {  	s17 =	simm.s32 $0xC00;
	[sflag:s0] =	ssyncadd.s32 $0xFFFFE000  }
0x104: {  	[tilespmem:s6], [sflag:$0x1] =	stream.indirect.gather [hbm4b:s3+s4], $0x40, s17, s4, $0xb8;
	[tilespmem:$0x4D00] =	vst v63  }
0x105: {  	_ =	swait.ge [sflag:s9], $0x2000  }
0x106: {  	[sflag:s9] =	ssyncset.done $0x0  }
0x107: {  	[sflag:s9] =	ssyncadd.s32 $0xFFFFE000  }
0x108: {  	[hbm4b:s28+s2] =	stream.linear.scatter [tilespmem:s7], [sflag:$0x3], $0x2000, $0x38;
	[tilespmem:$0x4D00] =	vst v63  }
0x109: {  	_ =	swait.ge [sflag:s0], $0x2000  }
0x10a: {  	[sflag:s0] =	ssyncset.done $0x0  }
0x10b: {  	s18 =	simm.s32 $0xC80;
	[sflag:s0] =	ssyncadd.s32 $0xFFFFE000  }
0x10c: {  	[tilespmem:s7], [sflag:$0x2] =	stream.indirect.gather [hbm4b:s3+s4], $0x40, s18, s4, $0xb8;
	[tilespmem:$0x4D00] =	vst v63  }
0x10d: {  	_ =	swait.ge [sflag:s8], $0x2000  }
0x10e: {  	[sflag:s8] =	ssyncset.done $0x0  }
0x10f: {  	[sflag:s8] =	ssyncadd.s32 $0xFFFFE000  }
0x110: {  	[hbm4b:s29+s2] =	stream.linear.scatter [tilespmem:s6], [sflag:$0x3], $0x2000, $0x38;
	[tilespmem:$0x4D00] =	vst v63  }
0x111: {  	_ =	swait.ge [sflag:s0], $0x2000  }
0x112: {  	[sflag:s0] =	ssyncset.done $0x0  }
0x113: {  	[sflag:s0] =	ssyncadd.s32 $0xFFFFE000  }
0x114: {  	s10 =	sadd.s32 $0x1, s10;
	_ =	swait.ge [sflag:s9], $0x2000  }
0x115: {  	p0 =	sne.s32 s10, s31;
	[sflag:s9] =	ssyncset.done $0x0  }
.Ltmp1:
0x116: {  	[sflag:s9] =	ssyncadd.s32 $0xFFFFE000;
	(pc) =	sbr.rel @p0 .LBB2_1-.Ltmp1, $4  }
0x117: {  	[hbm4b:s30+s2] =	stream.linear.scatter [tilespmem:s7], [sflag:$0x3], $0x2000, $0x38;
	[tilespmem:$0x4D00] =	vst v63  }
0x118: {  	_ =	swait.ge [sflag:s0], $0x2000  }
0x119: {  	[sflag:s0] =	ssyncset.done $0x0  }
0x11a: {  	[sflag:s0] =	ssyncadd.s32 $0xFFFFE000  }
0x11b: {  	_ =	sfence.sel $0x180000  }
0x11c: {  	[bflag:$0x0] =	sbarrier.arrive $0xFFFF  }
0x11d: {  	_ =	strace $0x9000004A  }
0x11e: {  	s0 =	stileid.u32;
	[bflag:$0x2] =	sbarrier.arrive $0xFFFF  }
0x11f: {  	p0 =	sne.s32 s0, $0x0;
	s0 =	rddreg [dreg:$0x2]  }
0x120: {  	s0 =	sadd.s32 @!p0 $0x100000, s0  }
0x121: {  	[sflag:s0] =	ssyncadd.tile.s32 @!p0 $0x1;
	_ =	shalt  }
.Lfunc_end2:
_tile_overlayer_lowered:
.L_overlay_start_2:
0x122: {  	(tag) =	ssettag $0x2  }
0x123: {  	s0 =	rddreg [dreg:$0x0];
	s2 =	stileid.u32  }
0x124: {  	s1 =	rddreg [dreg:$0x1];
	p0 =	sne.s32 s2, $0x0  }
0x125: {  	s3 =	rddreg [dreg:$0x2];
	[bflag:$0x3] =	sbarrier.arrive $0xFFFF;
	s2 =	simm.s32 @!p0 $0x1C03  }
0x126: {  	[timem:s3], [sflag:s2] =	dma.local @!p0 [hbm:s0], s1  }
0x127: {  	s0 =	simm.s32 @!p0 $0x3  }
0x128: {  	_ =	swait.ge @!p0 [sflag:s0], s1  }
0x129: {  	s1 =	ssub.s32 @!p0 $0x0, s1;
	[sflag:s0] =	ssyncset.done @!p0 $0x0  }
0x12a: {  	[sflag:s0] =	ssyncadd.s32 @!p0 s1  }
0x12b: {  	[bflag:$0x3] =	sbarrier.arrive $0xFFFF  }
0x12c: {  	_ =	shalt  }

// kernel: sparse-core-data-format-call.cloned.1.call-start
scs
called_computation_lowered:
.L_overlay_start_0:
0x0: {  	s2 =	sld [smem:$0x3FD9]  }
0x1: {  	s3 =	sld [smem:$0x3FFE];
	_ =	sdelay $0x1  }
0x2: {  	s1 =	srdreg.scid  }
0x3: {  	s0 =	sand.u32 $0x1, s1  }
0x4: {  	s18 =	sshll.u32 s0, $0xA;
	s2 =	sadd.s32 s3, s2  }
0x5: {  	s2 =	sadd.s32 s2, s18  }
0x6: {  	[smem:$0x3FC6] =	sst s2  }
0x7: {  	_ = 	snop  }
0x8: {  	s2 =	sld [smem:$0x3FC8];
	(tm) =	ssettm $0x1  }
0x9: {  	s19 =	sld [smem:$0x3FFB];
	_ =	sdelay $0x3  }
0xa: {  	_ =	strace s19  }
0xb: {  	s3 =	sld [smem:$0x3FFC];
	_ =	sdelay $0x3  }
0xc: {  	_ =	strace s3  }
0xd: {  	s3 =	sld [smem:$0x3FFD];
	_ =	sdelay $0x3  }
0xe: {  	_ =	strace s3  }
0xf: {  	_ =	strace $0x8FFFFFFF  }
0x10: {  	s20 =	sld [smem:$0x3FDB];
	_ =	sdelay $0x1  }
0x11: {  	s4 =	simm.s32 $_scs_section_size  }
0x12: {  	s5 =	simm.s32 $_size__tile_overlayer_lowered;
	s6 =	simm.s32 $_tile_overlayer_lowered  }
0x13: {  	s23 =	simm.s32 $0x1BFF;
	s22 =	sshll.u32 s6, $0x1;
	s3 =	sadd.s32 s4, s20  }
0x14: {  	s7 =	simm.s32 $0x0;
	s21 =	sshll.u32 s5, $0x1;
	s5 =	sadd.s32 s22, s3  }
0x15: {  	[timem:s7], [sflag:s23] =	dma.local [hbm:s5], s21  }
0x16: {  	_ =	swait.ge [sflag:s23], s21  }
0x17: {  	s4 =	ssub.s32 $0x0, s21;
	[sflag:s23] =	ssyncset.done $0x0  }
0x18: {  	[sflag:s23] =	ssyncadd.s32 s4;
	_ =	sdelay $0x1  }
0x19: {  	s24 =	simm.s32 $0x1B8B  }
0x1a: {  	_ =	swait.ge [sflag:s24], $0x1  }
0x1b: {  	[sflag:s24] =	ssyncset.done $0x0  }
0x1c: {  	s26 =	simm.s32 $0x1B8E;
	s25 =	sld [smem:$0x3FFE];
	[sflag:s24] =	ssyncadd.s32 $0xFFFFFFFF  }
0x1d: {  	s27 =	simm.s32 $execute0_lowered;
	[smem:$0x3FD2] =	sst s26  }
0x1e: {  	s5 =	sshll.u32 s27, $0x1;
	_ =	strace $0x80000046;
	[dreg:$0x1] =	wrdreg $0xFFFFFFFF  }
0x1f: {  	s28 =	simm.s32 $_size_execute0_lowered;
	s3 =	sadd.s32 s3, s5;
	[dreg:$0x0] =	wrdreg $0x0  }
0x20: {  	s5 =	sshll.u32 s28, $0x1;
	[dreg:$0x2] =	wrdreg s3  }
0x21: {  	[dreg:$0x3] =	wrdreg s5  }
0x22: {  	[dreg:$0x4] =	wrdreg $0xC0  }
0x23: {  	_ =	task [dreg:s7], $0x5FFFF  }
0x24: {  	[dreg:$0x1] =	wrdreg $0xFFFFFFFF  }
0x25: {  	[dreg:$0x0] =	wrdreg $0x60  }
0x26: {  	[dreg:$0x2] =	wrdreg s2  }
0x27: {  	[dreg:$0x3] =	wrdreg s25  }
0x28: {  	[dreg:$0x4] =	wrdreg $0x9  }
0x29: {  	_ =	task.clear_ibuf [dreg:s7], $0x5FFFF;
	_ =	strace $0x90000046  }
0x2a: {  	s29 =	simm.s32 $0x9;
	_ =	strace $0x80000048  }
0x2b: {  	_ =	swait.ge [sflag:s29], $0x1  }
0x2c: {  	[sflag:s29] =	ssyncadd.s32 $0xFFFFFFFF  }
0x2d: {  	_ =	strace $0x90000048  }
0x2e: {  	_ =	sfence  }
0x2f: {  	s30 =	sld [smem:$0x0];
	_ =	sdelay $0x2  }
0x30: {  	s31 =	sshll.u32 s1, $0xD;
	s1 =	sshrl.u32 s1, $0x2  }
0x31: {  	s3 =	sand.u32 $0x4000, s31;
	s1 =	sadd.s32 s1, s30  }
0x32: {  	s0 =	sor.u32 s3, s0;
	s1 =	sshll.u32 s1, $0x11  }
0x33: {  	s0 =	sor.u32 s1, s0  }
0x34: {  	s0 =	sadd.s32 $0x8F2B, s0  }
0x35: {  	[sflag:s0] =	ssyncadd.remote.s32 $0x1  }
0x36: {  	_ =	sfence.sel $0xFFFF  }
0x37: {  	[dreg:$0x0] =	wrdreg $0xFFFFFFFF;
	(pc) =	sbr.abs _section_cstart, $3  }
0x38: {  	[dreg:$0x1] =	wrdreg $0xFFFFFFFF  }
0x39: {  	_ =	task.clear_ibuf [dreg:s7], $0x2FFFF;
	_ =	strace $0x9FFFFFFF  }
0x3a: {  	(tm) =	ssettm $0x7FFFFFFF  }
0x3b: {  	_ =	shalt  }
tec
execute0_lowered:
.L_overlay_start_1:
0x0: {  	(tag) =	ssettag $0x1  }
0x1: {  	s2 =	rddreg [dreg:$0x0]  }
0x2: {  	s0 =	srdreg.scid;
	s5 =	rddreg [dreg:$0x1]  }
0x3: {  	s31 =	simm.s32 $0x2;
	s16 =	simm.s32 $0x0;
	p0 =	por $0x0, $0x0  }
0x4: {  	s8 =	simm.s32 $0x80;
	s17 =	simm.s32 $0x0;
	s1 =	sshll.u32 s0, $0x4  }
0x5: {  	s18 =	simm.s32 $0x0;
	s0 =	stileid.u32;
	s1 =	sand.u32 $0x10, s1  }
0x6: {  	s9 =	simm.s32 $0x0;
	s10 =	simm.s32 $0x0;
	s1 =	sor.u32 s0, s1  }
0x7: {  	s11 =	simm.s32 $0x0;
	s13 =	simm.s32 $0x0;
	s3 =	sshll.u32 s1, $0x8  }
.Ltmp0:
0x8: {  	s14 =	simm.s32 $0x0;
	s4 =	ssub.s32 $0x18600, s3;
	(pc) =	sbr.rel .LBB1_1-.Ltmp0, $4  }
0x9: {  	s15 =	simm.s32 $0x0;
	s1 =	rddreg [dreg:$0x2];
	s6 =	sshrl.u32 s4, $0xD  }
0xa: {  	_ =	strace $0x80000047;
	s4 =	simm.s32 $0x1;
	s7 =	smul.u32 $0x1A, s6  }
0xb: {  	s5 =	sadd.s32 $0x1000, s5;
	s12 =	smov.u32 s3;
	[sflag:s4] =	ssyncpa.u1 $0x0  }
0xc: {  	[sflag:s31] =	ssyncpa.u1 $0x0;
	s6 =	sadd.s32 $0x1A, s7;
	s7 =	sadd.s32 $0x1B, s7  }
.LBB1_5:
0xd: {  	p1 =	slt.u32 s15, $0x2  }
0xe: {  	s19 =	smov.u32 s18;
	p2 =	sgt.s32 @!p1 s18, $0x19  }
0xf: {  	s20 =	sshra.s32 @!p1 s18, $0x1F;
	p3 =	sgt.s32 @!p1 s16, $0x185A8;
	p4 =	sgt.s32 @!p1 s17, $0x40  }
0x10: {  	s21 =	sshra.s32 @!p1 s17, $0x1F;
	p2 =	por !p2, p1;
	s18 =	sand.u32 @!p1 s20, s18  }
0x11: {  	p4 =	por !p4, p1;
	s20 =	smov.u32 s17;
	s19 =	simm.s32 @p2 $0x19  }
0x12: {  	s17 =	sand.u32 @!p1 s21, s17;
	s20 =	simm.s32 @p4 $0x40;
	s18 =	ssub.s32 @!p1 s19, s18  }
0x13: {  	p3 =	por !p3, p1;
	s17 =	ssub.s32 @!p1 s20, s17;
	s19 =	sadd.s32 @!p1 $0xFFFFFFE7, s18  }
0x14: {  	s20 =	sshra.s32 @!p1 s16, $0x1F;
	s18 =	ssub.s32 @!p1 $0x1A, s18;
	p2 =	sgt.s32 @!p1 s19, $0x0  }
0x15: {  	s19 =	smov.u32 s16;
	s16 =	sand.u32 @!p1 s20, s16;
	s20 =	sadd.s32 @!p1 $0xFFFFFFC0, s17  }
0x16: {  	s17 =	ssub.s32 @!p1 $0x80, s17;
	s19 =	simm.s32 @p3 $0x185A8;
	p2 =	por !p2, p1  }
0x17: {  	s18 =	simm.s32 @!p2 $0x0;
	s16 =	ssub.s32 @!p1 s19, s16;
	p2 =	sgt.s32 @!p1 s20, $0x3F  }
0x18: {  	s20 =	smov.u32 s13;
	s19 =	sadd.s32 @!p1 $0xFFFE7A58, s16;
	p2 =	por !p2, p1  }
0x19: {  	s16 =	ssub.s32 @!p1 $0x186A8, s16;
	s17 =	simm.s32 @!p2 $0x0;
	p2 =	sgt.s32 @!p1 s19, $0xFF  }
0x1a: {  	s19 =	sadd.s32 $0x2000, s12;
	p2 =	por !p2, p1;
	s17 =	smul.u32 @!p1 s18, s17  }
0x1b: {  	s18 =	sadd.s32 $0x40, s13;
	s16 =	simm.s32 @!p2 $0x0;
	p2 =	sgt.s32 s19, $0x186A0  }
0x1c: {  	s16 =	smul.u32 @!p1 s16, s17;
	s20 =	smov.u32 @p2 s18  }
0x1d: {  	s19 =	smov.u32 @p2 s3;
	s17 =	simm.s32 $0x1;
	p2 =	sgt.s32 s20, $0x3F  }
0x1e: {  	s17 =	simm.s32 @!p2 $0x0  }
0x1f: {  	p0 =	por !p0, !p0;
	s23 =	sadd.s32 s17, s14  }
0x20: {  	s21 =	simm.s32 @!p1 $0x2;
	s20 =	simm.s32 @p2 $0x0;
	p2 =	sgt.s32 s23, $0x19  }
0x21: {  	s18 =	smov.u32 s11;
	s23 =	simm.s32 @p2 $0x0;
	p2 =	sne.s32 s15, s7  }
.Ltmp1:
0x22: {  	s11 =	smov.u32 s14;
	s16 =	sand.u32 @!p1 $0x3FFFFFFF, s16;
	(pc) =	sbr.rel @!p2 .LBB1_6-.Ltmp1, $4  }
0x23: {  	_ =	swait.ge @!p1 [sflag:s21], s16;
	s22 =	ssub.s32 @!p1 $0x0, s16;
	s16 =	smov.u32 s9  }
0x24: {  	s17 =	smov.u32 s10;
	s9 =	smov.u32 s12;
	s10 =	smov.u32 s13  }
0x25: {  	s12 =	smov.u32 s19;
	s13 =	smov.u32 s20;
	[sflag:s21] =	ssyncset.done @!p1 $0x0  }
0x26: {  	s15 =	sadd.s32 $0x1, s15;
	[sflag:s21] =	ssyncadd.s32 @!p1 s22;
	s14 =	smov.u32 s23  }
.LBB1_1:
0x27: {  	p1 =	sge.u32 s15, s6  }
0x28: {  	s19 =	sshrl.u32 @!p1 s13, $0x3  }
0x29: {  	s20 =	sshll.u32 @!p1 s12, $0x3;
	s19 =	smul.u32 @!p1 $0xC3800, s19  }
0x2a: {  	s21 =	sshll.u32 @!p1 s13, $0x7;
	s20 =	sand.u32 @!p1 $0xFFFFFC00, s20  }
0x2b: {  	s19 =	sadd.s32 @!p1 s19, s20;
	s20 =	sand.u32 @!p1 $0x380, s21  }
0x2c: {  	s21 =	sand.u32 @!p1 $0x7F, s12;
	s19 =	sor.u32 @!p1 s20, s19  }
0x2d: {  	s20 =	sor.u32 @!p1 s21, s19  }
0x2e: {  	s21 =	smulhi.u32 @!p1 $0xA79C7B17, s20  }
0x2f: {  	s19 =	smulhi.u32 @!p1 $0xA79C7B17, s19  }
0x30: {  	s21 =	sshrl.u32 @!p1 s21, $0x10  }
0x31: {  	s19 =	sshrl.u32 @!p1 s19, $0x10;
	s21 =	smul.u32 @!p1 $0x18700, s21  }
0x32: {  	s22 =	sxor.u32 @!p1 $0xFFFFFFFF, s15;
	s23 =	smul.u32 @!p1 $0xC3800, s14;
	s19 =	sand.u32 @!p1 $0x3F, s19  }
0x33: {  	s22 =	sshll.u32 @!p1 s22, $0xE;
	s19 =	smul.u32 @!p1 $0x30E0, s19;
	s20 =	ssub.s32 @!p1 s20, s21  }
0x34: {  	s21 =	sand.u32 @!p1 $0x4000, s22;
	s22 =	sadd.s32 @!p1 s2, s23;
	s23 =	sand.u32 @!p1 $0x7, s20  }
0x35: {  	s20 =	sshrl.u32 @!p1 s20, $0x3;
	s19 =	sadd.s32 @!p1 s19, s22;
	s22 =	sshll.u32 @!p1 s23, $0x12  }
0x36: {  	s19 =	sadd.s32 @!p1 s20, s19;
	s20 =	sor.u32 @!p1 $0x800, s22;
	s22 =	simm.s32 @!p1 $0xC3800  }
0x37: {  	[tilespmem:s21], [sflag:$0x1] =	stream.strided.gather @!p1 [hbm4b:s19+s20], $0x4000, s22, s20, $0x38;
	[tilespmem:$0x10200] =	vst v63  }
0x38: {  	p1 =	seq.s32 s15, $0x0  }
0x39: {  	p2 =	sge.u32 @!p1 s15, s7  }
0x3a: {  	p1 =	por p1, p2  }
.Ltmp2:
0x3b: {  	_ = 	snop;
	(pc) =	sbr.rel @p1 .LBB1_5-.Ltmp2, $1  }
0x3c: {  	_ =	sdelay $0x3  }
0x3d: {  	s21 =	simm.s32 $0x0  }
0x3e: {  	s22 =	sand.u32 $0x3800, s21;
	s23 =	sand.u32 $0x380, s21  }
0x3f: {  	s19 =	sand.u32 $0x1, s15;
	s23 =	sor.u32 s23, s22  }
0x40: {  	_ =	swait.ge [sflag:s4], $0x4000;
	s20 =	sshll.u32 s19, $0xE;
	s22 =	sand.u32 $0x3B00, s23  }
0x41: {  	[sflag:s4] =	ssyncset.done $0x0;
	s21 =	sand.u32 $0x80, s21;
	s22 =	sadd.s32 s22, s20  }
0x42: {  	[sflag:s4] =	ssyncadd.s32 $0xFFFFC000;
	s25 =	sadd.s32 s21, s22  }
0x43: {  	v4 =	vld [tilespmem:s25+$0x400]  }
0x44: {  	s24 =	simm.s32 $0x1;
	v5 =	vld [tilespmem:s25+$0x0]  }
0x45: {  	s24 =	simm.s32 @!p0 $0x0;
	v6 =	vld [tilespmem:s25+$0x10]  }
0x46: {  	v0 =	vmov s20;
	s31 =	smul.u32 $0x10400, s24;
	v7 =	vld [tilespmem:s25+$0x20]  }
0x47: {  	v9 =	vld [tilespmem:s25+$0x30]  }
0x48: {  	s21 =	sshrl.u32 s31, $0x2;
	v10 =	vld [tilespmem:s25+$0x40]  }
0x49: {  	s21 =	sor.u32 $0x8000, s21;
	v11 =	vld [tilespmem:s25+$0x50]  }
0x4a: {  	v8 =	vld [tilespmem:s25+$0x60];
	s22 =	sadd.s32 $0x0, s21  }
0x4b: {  	v1 =	vld.idx.msk [tilespmem:v0+s23+$0x410 ss:$0x1], $0xffff;
	[tilespmem:s22+$0x2080 ss:$0x41] =	vst.msk $0xffff, v4  }
0x4c: {  	v2 =	vld.idx.msk [tilespmem:v0+s23+$0x420 ss:$0x1], $0xffff;
	[tilespmem:s22+$0x0 ss:$0x41] =	vst.msk $0xffff, v5  }
0x4d: {  	v3 =	vld.idx.msk [tilespmem:v0+s23+$0x430 ss:$0x1], $0xffff;
	[tilespmem:s22+$0x410 ss:$0x41] =	vst.msk $0xffff, v6  }
0x4e: {  	s19 =	smul.u32 $0x10400, s19;
	[tilespmem:s22+$0x820 ss:$0x41] =	vst.msk $0xffff, v7;
	v7 =	vld [tilespmem:s25+$0x70]  }
0x4f: {  	s26 =	simm.s32 $0x80;
	s27 =	simm.s32 $0x8;
	[tilespmem:s22+$0xC30 ss:$0x41] =	vst.msk $0xffff, v9;
	v4 =	vld.idx.msk [tilespmem:v0+s23+$0x440 ss:$0x1], $0xffff  }
0x50: {  	s29 =	sand.u32 $0x380, s26;
	s19 =	sshrl.u32 s19, $0x2;
	[tilespmem:s22+$0x1040 ss:$0x41] =	vst.msk $0xffff, v10;
	v5 =	vld.idx.msk [tilespmem:v0+s23+$0x450 ss:$0x1], $0xffff;
	s25 =	simm.s32 $0x100  }
0x51: {  	s24 =	simm.s32 $0x4;
	s19 =	sor.u32 $0x8000, s19;
	[tilespmem:s22+$0x1450 ss:$0x41] =	vst.msk $0xffff, v11;
	v6 =	vld.idx.msk [tilespmem:v0+s23+$0x460 ss:$0x1], $0xffff;
	s28 =	sand.u32 $0x3800, s25  }
.LBB1_3:
0x52: {  	p1 =	sne.s32 s27, $0xFC;
	[tilespmem:s22+$0x1860 ss:$0x41] =	vst.msk $0xffff, v8;
	v8 =	vld.idx.msk [tilespmem:v0+s23+$0x470 ss:$0x1], $0xffff;
	s23 =	sor.u32 s29, s28  }
0x53: {  	s28 =	sand.u32 $0x3B00, s23;
	v9 =	vld.idx.msk [tilespmem:v0+s23+$0x410 ss:$0x1], $0xffff;
	[tilespmem:s22+$0x1C70 ss:$0x41] =	vst.msk $0xffff, v7  }
0x54: {  	s29 =	sand.u32 $0x80, s26;
	s28 =	sadd.s32 s28, s20;
	v7 =	vld.idx.msk [tilespmem:v0+s23+$0x420 ss:$0x1], $0xffff;
	[tilespmem:s22+$0x2490 ss:$0x41] =	vst.msk $0xffff, v1  }
0x55: {  	s28 =	sadd.s32 s29, s28;
	v10 =	vld.idx.msk [tilespmem:v0+s23+$0x430 ss:$0x1], $0xffff;
	[tilespmem:s22+$0x28A0 ss:$0x41] =	vst.msk $0xffff, v2  }
0x56: {  	v11 =	vld [tilespmem:s28+$0x400];
	[tilespmem:s22+$0x2CB0 ss:$0x41] =	vst.msk $0xffff, v3  }
0x57: {  	v12 =	vld [tilespmem:s28+$0x0];
	[tilespmem:s22+$0x30C0 ss:$0x41] =	vst.msk $0xffff, v4  }
0x58: {  	v4 =	vld [tilespmem:s28+$0x10];
	[tilespmem:s22+$0x34D0 ss:$0x41] =	vst.msk $0xffff, v5  }
0x59: {  	s29 =	sshra.s32 s24, $0x2;
	s24 =	smov.u32 s27;
	v1 =	vmov v9;
	v5 =	vld [tilespmem:s28+$0x20];
	[tilespmem:s22+$0x38E0 ss:$0x41] =	vst.msk $0xffff, v6  }
0x5a: {  	v2 =	vmov v7;
	v6 =	vld [tilespmem:s28+$0x30];
	[tilespmem:s22+$0x3CF0 ss:$0x41] =	vst.msk $0xffff, v8;
	s22 =	sadd.s32 s29, s21  }
0x5b: {  	v3 =	vmov v10;
	v9 =	vld [tilespmem:s28+$0x40];
	[tilespmem:s22+$0x2080 ss:$0x41] =	vst.msk $0xffff, v11  }
0x5c: {  	[tilespmem:s22+$0x0 ss:$0x41] =	vst.msk $0xffff, v12;
	v10 =	vld [tilespmem:s28+$0x50]  }
.Ltmp3:
0x5d: {  	[tilespmem:s22+$0x410 ss:$0x41] =	vst.msk $0xffff, v4;
	v8 =	vld [tilespmem:s28+$0x60];
	(pc) =	sbr.rel @p1 .LBB1_3-.Ltmp3, $4  }
0x5e: {  	[tilespmem:s22+$0x820 ss:$0x41] =	vst.msk $0xffff, v5;
	v7 =	vld [tilespmem:s28+$0x70]  }
0x5f: {  	[tilespmem:s22+$0xC30 ss:$0x41] =	vst.msk $0xffff, v6;
	v4 =	vld.idx.msk [tilespmem:v0+s23+$0x440 ss:$0x1], $0xffff  }
0x60: {  	s26 =	sadd.s32 $0x80, s26;
	s25 =	sadd.s32 $0x100, s25;
	[tilespmem:s22+$0x1040 ss:$0x41] =	vst.msk $0xffff, v9;
	v5 =	vld.idx.msk [tilespmem:v0+s23+$0x450 ss:$0x1], $0xffff  }
0x61: {  	s27 =	sadd.s32 $0x4, s27;
	s29 =	sand.u32 $0x380, s26;
	s28 =	sand.u32 $0x3800, s25;
	[tilespmem:s22+$0x1450 ss:$0x41] =	vst.msk $0xffff, v10;
	v6 =	vld.idx.msk [tilespmem:v0+s23+$0x460 ss:$0x1], $0xffff  }
0x62: {  	_ =	sdelay $0x3  }
0x63: {  	s25 =	sor.u32 s29, s28;
	v47 =	vld.idx.msk [tilespmem:v0+s23+$0x470 ss:$0x1], $0xffff  }
0x64: {  	[tilespmem:s22+$0x1860 ss:$0x41] =	vst.msk $0xffff, v8;
	v57 =	vld.idx.msk [tilespmem:v0+s25+$0x410 ss:$0x1], $0xffff  }
0x65: {  	[tilespmem:s22+$0x2490 ss:$0x41] =	vst.msk $0xffff, v1;
	v58 =	vld.idx.msk [tilespmem:v0+s25+$0x420 ss:$0x1], $0xffff  }
0x66: {  	[tilespmem:s22+$0x28A0 ss:$0x41] =	vst.msk $0xffff, v2;
	v59 =	vld.idx.msk [tilespmem:v0+s25+$0x430 ss:$0x1], $0xffff  }
0x67: {  	[tilespmem:s22+$0x2CB0 ss:$0x41] =	vst.msk $0xffff, v3;
	v60 =	vld.idx.msk [tilespmem:v0+s25+$0x440 ss:$0x1], $0xffff  }
0x68: {  	s26 =	sand.u32 $0x80, s26;
	s27 =	sand.u32 $0x3B00, s25;
	[tilespmem:s22+$0x1C70 ss:$0x41] =	vst.msk $0xffff, v7;
	v61 =	vld.idx.msk [tilespmem:v0+s25+$0x450 ss:$0x1], $0xffff  }
0x69: {  	s29 =	sshll.u32 s10, $0x3;
	s24 =	sshra.s32 s24, $0x2;
	v62 =	vld.idx.msk [tilespmem:v0+s25+$0x460 ss:$0x1], $0xffff;
	s20 =	sadd.s32 s27, s20;
	[tilespmem:s22+$0x30C0 ss:$0x41] =	vst.msk $0xffff, v4  }
0x6a: {  	p1 =	sgt.s32 s11, $0x19;
	s31 =	sand.u32 $0xFFFFFC00, s29;
	v63 =	vld.idx.msk [tilespmem:v0+s25+$0x470 ss:$0x1], $0xffff;
	s23 =	sadd.s32 s26, s20;
	[tilespmem:s22+$0x34D0 ss:$0x41] =	vst.msk $0xffff, v5  }
0x6b: {  	p2 =	sgt.s32 s10, $0x40;
	s29 =	sshra.s32 s11, $0x1F;
	s25 =	smul.u32 $0x186A80, s11;
	v48 =	vld [tilespmem:s23+$0x400];
	[tilespmem:s22+$0x38E0 ss:$0x41] =	vst.msk $0xffff, v6  }
0x6c: {  	s26 =	sshll.u32 s9, $0x7;
	s20 =	sadd.s32 s24, s21;
	s24 =	sand.u32 s29, s11;
	v49 =	vld [tilespmem:s23+$0x0];
	[tilespmem:s22+$0x3CF0 ss:$0x41] =	vst.msk $0xffff, v47  }
0x6d: {  	s29 =	sshra.s32 s9, $0x1F;
	v50 =	vld [tilespmem:s23+$0x10];
	s30 =	sand.u32 $0xFFFFFC00, s26;
	s28 =	sand.u32 $0x380, s26;
	[tilespmem:s20+$0x2490 ss:$0x41] =	vst.msk $0xffff, v57  }
0x6e: {  	v51 =	vld [tilespmem:s23+$0x20];
	s27 =	sadd.s32 s31, s30;
	s22 =	smov.u32 s11;
	s31 =	sshra.s32 s10, $0x1F;
	[tilespmem:s20+$0x28A0 ss:$0x41] =	vst.msk $0xffff, v58  }
0x6f: {  	v52 =	vld [tilespmem:s23+$0x30];
	s21 =	sor.u32 s28, s27;
	s22 =	simm.s32 @!p1 $0x19;
	s28 =	sand.u32 s31, s10;
	[tilespmem:s20+$0x2CB0 ss:$0x41] =	vst.msk $0xffff, v59  }
0x70: {  	v53 =	vld [tilespmem:s23+$0x40];
	s27 =	smov.u32 s9;
	[tilespmem:s20+$0x30C0 ss:$0x41] =	vst.msk $0xffff, v60;
	s21 =	sshrl.u32 s21, $0x7;
	s22 =	ssub.s32 s22, s24  }
0x71: {  	v54 =	vld [tilespmem:s23+$0x50];
	[tilespmem:s20+$0x34D0 ss:$0x41] =	vst.msk $0xffff, v61;
	s24 =	smov.u32 s10;
	s26 =	smulhi.u32 $0xA7C23D, s21;
	s30 =	sadd.s32 $0xFFFFFFE7, s22  }
0x72: {  	v55 =	vld [tilespmem:s23+$0x60];
	[tilespmem:s20+$0x38E0 ss:$0x41] =	vst.msk $0xffff, v62;
	s24 =	simm.s32 @!p2 $0x40;
	p2 =	sgt.s32 s9, $0x185A8;
	s22 =	ssub.s32 $0x1A, s22  }
0x73: {  	v56 =	vld [tilespmem:s23+$0x70];
	[tilespmem:s20+$0x3CF0 ss:$0x41] =	vst.msk $0xffff, v63;
	p1 =	sgt.s32 s30, $0x0;
	s23 =	ssub.s32 s24, s28;
	s27 =	simm.s32 @!p2 $0x185A8  }
0x74: {  	[tilespmem:s20+$0x2080 ss:$0x41] =	vst.msk $0xffff, v48;
	s24 =	sand.u32 s29, s9;
	s28 =	sand.u32 $0x7, s10;
	s26 =	sshrl.u32 s26, $0x8  }
0x75: {  	[tilespmem:s20+$0x0 ss:$0x41] =	vst.msk $0xffff, v49;
	s24 =	ssub.s32 s27, s24;
	s30 =	sadd.s32 $0xFFFFFFC0, s23;
	s22 =	simm.s32 @p1 $0x0  }
0x76: {  	[tilespmem:s20+$0x410 ss:$0x41] =	vst.msk $0xffff, v50;
	s23 =	ssub.s32 $0x80, s23;
	s27 =	sshrl.u32 s10, $0x3;
	p1 =	sgt.s32 s30, $0x3F  }
0x77: {  	[tilespmem:s20+$0x820 ss:$0x41] =	vst.msk $0xffff, v51;
	s26 =	smul.u32 $0x186A8, s26;
	s31 =	sadd.s32 $0xFFFE7A58, s24;
	s23 =	simm.s32 @p1 $0x0  }
0x78: {  	[tilespmem:s20+$0xC30 ss:$0x41] =	vst.msk $0xffff, v52;
	s24 =	ssub.s32 $0x186A8, s24;
	p1 =	sgt.s32 s31, $0xFF;
	s22 =	smul.u32 s22, s23  }
.Ltmp4:
0x79: {  	[tilespmem:s20+$0x1040 ss:$0x41] =	vst.msk $0xffff, v53;
	s24 =	simm.s32 @p1 $0x0;
	s21 =	ssub.s32 s21, s26;
	(pc) =	sbr.rel .LBB1_5-.Ltmp4, $4  }
0x7a: {  	[tilespmem:s20+$0x1450 ss:$0x41] =	vst.msk $0xffff, v54;
	s23 =	sadd.s32 s5, s25;
	s22 =	smul.u32 s24, s22;
	s24 =	sand.u32 $0xF, s27  }
0x7b: {  	[tilespmem:s20+$0x1860 ss:$0x41] =	vst.msk $0xffff, v55;
	s29 =	sshll.u32 s28, $0x12;
	s21 =	sshll.u32 s21, $0x4;
	s23 =	sadd.s32 s24, s23  }
0x7c: {  	[tilespmem:s20+$0x1C70 ss:$0x41] =	vst.msk $0xffff, v56;
	s31 =	sor.u32 $0x40, s29;
	s30 =	sand.u32 $0x3FFFFFFF, s22;
	s21 =	sadd.s32 s21, s23  }
0x7d: {  	[hbm4b:s21+s31] =	stream.strided.scatter [tilespmem:s19], [sflag:$0x2], s30, s8, s31, $0x18;
	[tilespmem:$0x10200] =	vst v63  }
.LBB1_6:
0x7e: {  	_ =	sfence.sel $0x180000  }
0x7f: {  	s2 =	simm.s32 $0x1;
	[bflag:$0x0] =	sbarrier.arrive $0xFFFF  }
0x80: {  	s31 =	simm.s32 $0x2;
	[sflag:s2] =	ssyncpa.u1 $0x1  }
0x81: {  	[sflag:s31] =	ssyncpa.u1 $0x1  }
0x82: {  	p0 =	sne.s32 s0, $0x0;
	_ =	strace $0x90000047  }
0x83: {  	s0 =	sadd.s32 @!p0 $0x100000, s1;
	[bflag:$0x2] =	sbarrier.arrive $0xFFFF  }
0x84: {  	[sflag:s0] =	ssyncadd.tile.s32 @!p0 $0x1;
	_ =	shalt  }
.Lfunc_end1:
_tile_overlayer_lowered:
.L_overlay_start_2:
0x85: {  	(tag) =	ssettag $0x2  }
0x86: {  	s0 =	rddreg [dreg:$0x0];
	s2 =	stileid.u32  }
0x87: {  	s1 =	rddreg [dreg:$0x1];
	p0 =	sne.s32 s2, $0x0  }
0x88: {  	s3 =	rddreg [dreg:$0x2];
	[bflag:$0x3] =	sbarrier.arrive $0xFFFF;
	s2 =	simm.s32 @!p0 $0x1C01  }
0x89: {  	[timem:s3], [sflag:s2] =	dma.local @!p0 [hbm:s0], s1  }
0x8a: {  	s0 =	simm.s32 @!p0 $0x1  }
0x8b: {  	_ =	swait.ge @!p0 [sflag:s0], s1  }
0x8c: {  	s1 =	ssub.s32 @!p0 $0x0, s1;
	[sflag:s0] =	ssyncset.done @!p0 $0x0  }
0x8d: {  	[sflag:s0] =	ssyncadd.s32 @!p0 s1  }
0x8e: {  	[bflag:$0x3] =	sbarrier.arrive $0xFFFF  }
0x8f: {  	_ =	shalt  }

</sc_bundles>
